<compile_context>
chip_gen: v7x
topology: tpu7x:2x2x1
jax: 0.10.2.dev20260603
libtpu: 0.0.44.dev20260713+nightly
codegen_flags: <defaults>
</compile_context>

<pallas_src>
import functools

import jax
import jax.numpy as jnp
from jax import lax
from jax.experimental import pallas as pl
from jax.experimental.pallas import tpu as pltpu
from jax.experimental.pallas import tpu_sc as plsc

_K = 1000
_D = 64
_CHUNK = 128
_NBUF = 10


def _table_body(base_ref, deltas_ref, table_ref):
    i = lax.broadcasted_iota(jnp.int32, (_K, _K - 1), 0)
    j = lax.broadcasted_iota(jnp.int32, (_K, _K - 1), 1)
    mask = (j < i).astype(jnp.float32)
    table_ref[...] = base_ref[...] + jnp.dot(
        mask, deltas_ref[...], preferred_element_type=jnp.float32
    )


def _build_table(base, deltas):
    return pl.pallas_call(
        _table_body,
        out_shape=jax.ShapeDtypeStruct((_K, _D), jnp.float32),
    )(base.reshape(1, _D), deltas)


def _make_gather(batch):
    info = plsc.get_sparse_core_info()
    nc, ns = info.num_cores, info.num_subcores
    nw = nc * ns
    assert batch % (nw * _CHUNK * _NBUF) == 0
    per_w = batch // nw
    n_chunks = per_w // _CHUNK

    mesh = plsc.VectorSubcoreMesh(core_axis_name="c", subcore_axis_name="s")

    @functools.partial(
        pl.kernel,
        mesh=mesh,
        out_type=jax.ShapeDtypeStruct((batch, _D), jnp.float32),
        compiler_params=pltpu.CompilerParams(
            use_tc_tiling_on_sc=False, needs_layout_passes=False
        ),
        scratch_types=[
            pltpu.VMEM_SHARED((_K, _D), jnp.float32),
            pltpu.VMEM((per_w,), jnp.int32),
            pltpu.VMEM((_NBUF, _CHUNK, _D), jnp.float32),
        ]
        + [pltpu.SemaphoreType.DMA] * (2 * _NBUF),
    )
    def gather(table_hbm, idx_hbm, out_hbm, tab_sh, idx_v, rows_v, *sems):
        gsems = sems[:_NBUF]
        wsems = sems[_NBUF:]
        c = lax.axis_index("c")
        s = lax.axis_index("s")
        w = s * nc + c
        base_row = w * per_w

        @pl.when(s == 0)
        def _load_table():
            pltpu.sync_copy(table_hbm, tab_sh)

        plsc.subcore_barrier()
        pltpu.sync_copy(idx_hbm.at[w], idx_v)

        def gather_desc(ck, b):
            return pltpu.make_async_copy(
                tab_sh.at[idx_v.at[pl.ds(ck * _CHUNK, _CHUNK)]],
                rows_v.at[b],
                gsems[b],
            )

        def write_desc(ck, b):
            return pltpu.make_async_copy(
                rows_v.at[b],
                out_hbm.at[pl.ds(base_row + ck * _CHUNK, _CHUNK)],
                wsems[b],
            )

        def body(p, carry):
            for b in range(_NBUF):
                ck = p * _NBUF + b

                @pl.when(ck >= _NBUF)
                def _free_slot():
                    write_desc(ck - _NBUF, b).wait()

                gather_desc(ck, b).start()
                pb = (b - 1) % _NBUF

                @pl.when(ck >= 1)
                def _complete_prev():
                    gather_desc(ck - 1, pb).wait()
                    write_desc(ck - 1, pb).start()

            return carry

        lax.fori_loop(0, n_chunks // _NBUF, body, 0)

        last = n_chunks - 1
        lb = last % _NBUF
        gather_desc(last, lb).wait()
        write_desc(last, lb).start()
        for b in range(_NBUF):
            write_desc(n_chunks - _NBUF + b, b).wait()

    def run(table, idx_flat):
        return gather(table, idx_flat.reshape(nw, per_w))

    return run


def kernel(labels, base, deltas):
    b0, b1 = labels.shape
    idx = labels.reshape(-1).astype(jnp.int32)
    table = _build_table(base, deltas)
    out = _make_gather(idx.shape[0])(table, idx)
    return out.reshape(b0, b1, _D)

# --- scband reference (transcript-rebuilt; emitter-appended) ---
"""Pipeline reference for scband-additive-ordinal-embedder-29111288333153 (READ-ONLY COPY).

The authoritative reference and input builder live on the scoring server;
editing this copy changes nothing except your own understanding.
"""

import jax, jax.numpy as jnp
import numpy as np

NUM_CLASSES = 1000
EMBED_DIM = 64
INIT_STD = 0.02

def setup_inputs(seed: int = 0) -> dict:
    key = jax.random.key(seed)
    k1, k2 = jax.random.split(key)
    labels = jax.random.randint(k1, (4096, 100), 0, NUM_CLASSES).astype(jnp.int64)
    base = jnp.zeros((EMBED_DIM,), dtype=jnp.float32)
    deltas = jax.random.normal(k2, (NUM_CLASSES - 1, EMBED_DIM), dtype=jnp.float32) * INIT_STD
    return {"labels": labels, "base": base, "deltas": deltas}

def reference(labels, base, deltas):
    # Build class table: E[k] = base + sum(deltas[:k])
    cumulative = jnp.cumsum(deltas, axis=0)
    offsets = jnp.concatenate(
        [jnp.zeros((1, EMBED_DIM), dtype=cumulative.dtype), cumulative], axis=0
    )
    table = base[None, :] + offsets  # (K, D)
    max_idx = NUM_CLASSES - 1
    lab = labels.astype(table.dtype)
    lab = jnp.clip(lab, 0.0, float(max_idx))
    lower = jnp.floor(lab)
    upper = jnp.ceil(lab)
    frac = (lab - lower)[..., None]
    lo_idx = lower.astype(jnp.int32)
    up_idx = upper.astype(jnp.int32)
    emb_lo = jnp.take(table, lo_idx, axis=0)
    emb_up = jnp.take(table, up_idx, axis=0)
    return emb_lo * (1.0 - frac) + emb_up * frac

if __name__ == "__main__":
    import jax
    _d = setup_inputs()
    print(jax.jit(kernel)(*tuple(_d.values())))

</pallas_src>

<mosaic_0001>
#map = affine_map<(d0, d1) -> (0, 0)>
module attributes {stable_mosaic.version = 14 : i64} {
  func.func @gather(%arg0: i32, %arg1: i32, %arg2: memref<1000x64xf32, #tpu.memory_space<hbm>>, %arg3: memref<32x12800xi32, #tpu.memory_space<hbm>>, %arg4: memref<409600x64xf32, #tpu.memory_space<hbm>>, %arg5: memref<1000x64xf32, #tpu.memory_space<vmem_shared>>, %arg6: memref<12800xi32, #tpu.memory_space<vmem>>, %arg7: memref<10x128x64xf32, #tpu.memory_space<vmem>>, %arg8: memref<!tpu.dma_semaphore, #tpu.memory_space<semaphore_mem>>, %arg9: memref<!tpu.dma_semaphore, #tpu.memory_space<semaphore_mem>>, %arg10: memref<!tpu.dma_semaphore, #tpu.memory_space<semaphore_mem>>, %arg11: memref<!tpu.dma_semaphore, #tpu.memory_space<semaphore_mem>>, %arg12: memref<!tpu.dma_semaphore, #tpu.memory_space<semaphore_mem>>, %arg13: memref<!tpu.dma_semaphore, #tpu.memory_space<semaphore_mem>>, %arg14: memref<!tpu.dma_semaphore, #tpu.memory_space<semaphore_mem>>, %arg15: memref<!tpu.dma_semaphore, #tpu.memory_space<semaphore_mem>>, %arg16: memref<!tpu.dma_semaphore, #tpu.memory_space<semaphore_mem>>, %arg17: memref<!tpu.dma_semaphore, #tpu.memory_space<semaphore_mem>>, %arg18: memref<!tpu.dma_semaphore, #tpu.memory_space<semaphore_mem>>, %arg19: memref<!tpu.dma_semaphore, #tpu.memory_space<semaphore_mem>>, %arg20: memref<!tpu.dma_semaphore, #tpu.memory_space<semaphore_mem>>, %arg21: memref<!tpu.dma_semaphore, #tpu.memory_space<semaphore_mem>>, %arg22: memref<!tpu.dma_semaphore, #tpu.memory_space<semaphore_mem>>, %arg23: memref<!tpu.dma_semaphore, #tpu.memory_space<semaphore_mem>>, %arg24: memref<!tpu.dma_semaphore, #tpu.memory_space<semaphore_mem>>, %arg25: memref<!tpu.dma_semaphore, #tpu.memory_space<semaphore_mem>>, %arg26: memref<!tpu.dma_semaphore, #tpu.memory_space<semaphore_mem>>, %arg27: memref<!tpu.dma_semaphore, #tpu.memory_space<semaphore_mem>>) attributes {dimension_semantics = [#tpu.dimension_semantics<core_parallel>, #tpu.dimension_semantics<subcore_parallel>], iteration_bounds = array<i64: 2, 16>, scalar_prefetch = 0 : i64, scratch_operands = 23 : i64, tpu.core_type = #tpu.core_type<sc_vector_subcore>, window_params = [{transform_indices = #map}, {transform_indices = #map}, {transform_indices = #map}]} {
    %mul3A = arith.constant 2 : i32
    %mul3A_0 = arith.muli %arg1, %mul3A : i32
    %add3A = arith.addi %mul3A_0, %arg0 : i32
    %mul3A_1 = arith.constant 12800 : i32
    %mul3A_2 = arith.muli %add3A, %mul3A_1 : i32
    %eq3A = arith.constant 0 : i32
    %eq3A_3 = arith.cmpi eq, %arg1, %eq3A : i32
    %convert_element_type3A = arith.extui %eq3A_3 : i1 to i32
    %cond3A = arith.constant 0 : i32
    %cond3A_4 = arith.cmpi ne, %convert_element_type3A, %cond3A : i32
    scf.if %cond3A_4 {
      "tpu.region"() ({
        %run_scoped3A = tpu.sem_alloc : memref<!tpu.dma_semaphore, #tpu.memory_space<semaphore_mem>>
        tpu.enqueue_dma source(%arg2 : memref<1000x64xf32, #tpu.memory_space<hbm>>) target(%arg5 : memref<1000x64xf32, #tpu.memory_space<vmem_shared>>) target_semaphore(%run_scoped3A : memref<!tpu.dma_semaphore, #tpu.memory_space<semaphore_mem>>)
        tpu.wait_dma2 semaphore(%run_scoped3A : memref<!tpu.dma_semaphore, #tpu.memory_space<semaphore_mem>>) src(%arg2 : memref<1000x64xf32, #tpu.memory_space<hbm>>) dst(%arg5 : memref<1000x64xf32, #tpu.memory_space<vmem_shared>>)
        tpu.yield
      }) : () -> ()
    } else {
    }
    %barrier3A = arith.constant 0 : index
    tpu.barrier barrier_id(%barrier3A)
    "tpu.region"() ({
      %run_scoped3A = tpu.sem_alloc : memref<!tpu.dma_semaphore, #tpu.memory_space<semaphore_mem>>
      %dma_start3A_183 = arith.constant 0 : i32
      %dma_start3A_184 = tpu.memref_slice %arg3[%add3A, %dma_start3A_183] : memref<32x12800xi32, #tpu.memory_space<hbm>> -> memref<1x12800xi32, #tpu.memory_space<hbm>>
      %dma_start3A_185 = tpu.memref_squeeze %dma_start3A_184 : memref<1x12800xi32, #tpu.memory_space<hbm>> -> memref<12800xi32, #tpu.memory_space<hbm>>
      %dma_start3A_186 = arith.constant 0 : i32
      %dma_start3A_187 = tpu.memref_slice %arg3[%add3A, %dma_start3A_186] : memref<32x12800xi32, #tpu.memory_space<hbm>> -> memref<1x12800xi32, #tpu.memory_space<hbm>>
      %dma_start3A_188 = tpu.memref_squeeze %dma_start3A_187 : memref<1x12800xi32, #tpu.memory_space<hbm>> -> memref<12800xi32, #tpu.memory_space<hbm>>
      tpu.enqueue_dma source(%dma_start3A_188 : memref<12800xi32, #tpu.memory_space<hbm>>) target(%arg6 : memref<12800xi32, #tpu.memory_space<vmem>>) target_semaphore(%run_scoped3A : memref<!tpu.dma_semaphore, #tpu.memory_space<semaphore_mem>>)
      %dma_wait3A_189 = arith.constant 0 : i32
      %dma_wait3A_190 = tpu.memref_slice %arg3[%add3A, %dma_wait3A_189] : memref<32x12800xi32, #tpu.memory_space<hbm>> -> memref<1x12800xi32, #tpu.memory_space<hbm>>
      %dma_wait3A_191 = tpu.memref_squeeze %dma_wait3A_190 : memref<1x12800xi32, #tpu.memory_space<hbm>> -> memref<12800xi32, #tpu.memory_space<hbm>>
      %dma_wait3A_192 = arith.constant 0 : i32
      %dma_wait3A_193 = tpu.memref_slice %arg3[%add3A, %dma_wait3A_192] : memref<32x12800xi32, #tpu.memory_space<hbm>> -> memref<1x12800xi32, #tpu.memory_space<hbm>>
      %dma_wait3A_194 = tpu.memref_squeeze %dma_wait3A_193 : memref<1x12800xi32, #tpu.memory_space<hbm>> -> memref<12800xi32, #tpu.memory_space<hbm>>
      tpu.wait_dma2 semaphore(%run_scoped3A : memref<!tpu.dma_semaphore, #tpu.memory_space<semaphore_mem>>) src(%dma_wait3A_194 : memref<12800xi32, #tpu.memory_space<hbm>>) dst(%arg6 : memref<12800xi32, #tpu.memory_space<vmem>>)
      tpu.yield
    }) : () -> ()
    %scan3A = arith.constant 0 : i32
    %scan3A_5 = arith.constant 0 : i32
    %scan3A_6 = arith.constant 10 : i32
    %scan3A_7 = arith.addi %scan3A_5, %scan3A_6 : i32
    %scan3A_8 = arith.constant 1 : i32
    scf.for %scan3A_183 = %scan3A_5 to %scan3A_7 step %scan3A_8  : i32 {
      %mul3A_184 = arith.constant 10 : i32
      %mul3A_185 = arith.muli %scan3A_183, %mul3A_184 : i32
      %add3A_186 = arith.constant 0 : i32
      %add3A_187 = arith.addi %mul3A_185, %add3A_186 : i32
      %ge3A = arith.constant 10 : i32
      %ge3A_188 = arith.cmpi sge, %add3A_187, %ge3A : i32
      %convert_element_type3A_189 = arith.extui %ge3A_188 : i1 to i32
      %cond3A_190 = arith.constant 0 : i32
      %cond3A_191 = arith.cmpi ne, %convert_element_type3A_189, %cond3A_190 : i32
      scf.if %cond3A_191 {
        %sub3A = arith.constant 10 : i32
        %sub3A_433 = arith.subi %add3A_187, %sub3A : i32
        %mul3A_434 = arith.constant 128 : i32
        %mul3A_435 = arith.muli %sub3A_433, %mul3A_434 : i32
        %add3A_436 = arith.addi %mul3A_2, %mul3A_435 : i32
        %dma_wait3A_437 = arith.constant 0 : i32
        %dma_wait3A_438 = arith.constant 0 : i32
        %dma_wait3A_439 = arith.constant 0 : i32
        %dma_wait3A_440 = tpu.memref_slice %arg7[%dma_wait3A_437, %dma_wait3A_438, %dma_wait3A_439] : memref<10x128x64xf32, #tpu.memory_space<vmem>> -> memref<1x128x64xf32, #tpu.memory_space<vmem>>
        %dma_wait3A_441 = tpu.memref_squeeze %dma_wait3A_440 : memref<1x128x64xf32, #tpu.memory_space<vmem>> -> memref<128x64xf32, #tpu.memory_space<vmem>>
        %dma_wait3A_442 = arith.constant 0 : i32
        %dma_wait3A_443 = tpu.memref_slice %arg4[%add3A_436, %dma_wait3A_442] : memref<409600x64xf32, #tpu.memory_space<hbm>> -> memref<128x64xf32, #tpu.memory_space<hbm>>
        %dma_wait3A_444 = arith.constant 0 : i32
        %dma_wait3A_445 = tpu.memref_slice %arg4[%add3A_436, %dma_wait3A_444] : memref<409600x64xf32, #tpu.memory_space<hbm>> -> memref<128x64xf32, #tpu.memory_space<hbm>>
        %dma_wait3A_446 = arith.constant 0 : i32
        %dma_wait3A_447 = arith.constant 0 : i32
        %dma_wait3A_448 = tpu.memref_slice %arg7[%dma_wait3A_437, %dma_wait3A_446, %dma_wait3A_447] : memref<10x128x64xf32, #tpu.memory_space<vmem>> -> memref<1x128x64xf32, #tpu.memory_space<vmem>>
        %dma_wait3A_449 = tpu.memref_squeeze %dma_wait3A_448 : memref<1x128x64xf32, #tpu.memory_space<vmem>> -> memref<128x64xf32, #tpu.memory_space<vmem>>
        tpu.wait_dma2 semaphore(%arg18 : memref<!tpu.dma_semaphore, #tpu.memory_space<semaphore_mem>>) src(%dma_wait3A_449 : memref<128x64xf32, #tpu.memory_space<vmem>>) dst(%dma_wait3A_445 : memref<128x64xf32, #tpu.memory_space<hbm>>)
      } else {
      }
      %mul3A_192 = arith.constant 128 : i32
      %mul3A_193 = arith.muli %add3A_187, %mul3A_192 : i32
      %dma_start3A_194 = arith.constant 0 : i32
      %dma_start3A_195 = arith.constant 0 : i32
      %dma_start3A_196 = arith.constant 0 : i32
      %dma_start3A_197 = tpu.memref_slice %arg7[%dma_start3A_194, %dma_start3A_195, %dma_start3A_196] : memref<10x128x64xf32, #tpu.memory_space<vmem>> -> memref<1x128x64xf32, #tpu.memory_space<vmem>>
      %dma_start3A_198 = tpu.memref_squeeze %dma_start3A_197 : memref<1x128x64xf32, #tpu.memory_space<vmem>> -> memref<128x64xf32, #tpu.memory_space<vmem>>
      %dma_start3A_199 = tpu.memref_slice %arg6[%mul3A_193] : memref<12800xi32, #tpu.memory_space<vmem>> -> memref<128xi32, #tpu.memory_space<vmem>>
      %dma_start3A_200 = arith.constant 0 : i32
      %dma_start3A_201 = arith.constant 0 : i32
      %dma_start3A_202 = tpu.memref_slice %arg5[%dma_start3A_200, %dma_start3A_201] : memref<1000x64xf32, #tpu.memory_space<vmem_shared>> -> memref<1000x64xf32, #tpu.memory_space<vmem_shared>>
      tpu.enqueue_indirect_dma source(%dma_start3A_202 : memref<1000x64xf32, #tpu.memory_space<vmem_shared>>) target(%dma_start3A_198 : memref<128x64xf32, #tpu.memory_space<vmem>>) offsets(%dma_start3A_199 : memref<128xi32, #tpu.memory_space<vmem>>) semaphore(%arg8 : memref<!tpu.dma_semaphore, #tpu.memory_space<semaphore_mem>>)
      %ge3A_203 = arith.constant 1 : i32
      %ge3A_204 = arith.cmpi sge, %add3A_187, %ge3A_203 : i32
      %convert_element_type3A_205 = arith.extui %ge3A_204 : i1 to i32
      %cond3A_206 = arith.constant 0 : i32
      %cond3A_207 = arith.cmpi ne, %convert_element_type3A_205, %cond3A_206 : i32
      scf.if %cond3A_207 {
        %sub3A = arith.constant 1 : i32
        %sub3A_433 = arith.subi %add3A_187, %sub3A : i32
        %mul3A_434 = arith.constant 128 : i32
        %mul3A_435 = arith.muli %sub3A_433, %mul3A_434 : i32
        %dma_wait3A_436 = arith.constant 9 : i32
        %dma_wait3A_437 = arith.constant 0 : i32
        %dma_wait3A_438 = arith.constant 0 : i32
        %dma_wait3A_439 = tpu.memref_slice %arg7[%dma_wait3A_436, %dma_wait3A_437, %dma_wait3A_438] : memref<10x128x64xf32, #tpu.memory_space<vmem>> -> memref<1x128x64xf32, #tpu.memory_space<vmem>>
        %dma_wait3A_440 = tpu.memref_squeeze %dma_wait3A_439 : memref<1x128x64xf32, #tpu.memory_space<vmem>> -> memref<128x64xf32, #tpu.memory_space<vmem>>
        %dma_wait3A_441 = tpu.memref_slice %arg6[%mul3A_435] : memref<12800xi32, #tpu.memory_space<vmem>> -> memref<128xi32, #tpu.memory_space<vmem>>
        %dma_wait3A_442 = arith.constant 0 : i32
        %dma_wait3A_443 = arith.constant 0 : i32
        %dma_wait3A_444 = tpu.memref_slice %arg5[%dma_wait3A_442, %dma_wait3A_443] : memref<1000x64xf32, #tpu.memory_space<vmem_shared>> -> memref<1000x64xf32, #tpu.memory_space<vmem_shared>>
        tpu.wait_indirect_dma semaphore(%arg17 : memref<!tpu.dma_semaphore, #tpu.memory_space<semaphore_mem>>) src(%dma_wait3A_444 : memref<1000x64xf32, #tpu.memory_space<vmem_shared>>) dst(%dma_wait3A_440 : memref<128x64xf32, #tpu.memory_space<vmem>>)
        %sub3A_445 = arith.constant 1 : i32
        %sub3A_446 = arith.subi %add3A_187, %sub3A_445 : i32
        %mul3A_447 = arith.constant 128 : i32
        %mul3A_448 = arith.muli %sub3A_446, %mul3A_447 : i32
        %add3A_449 = arith.addi %mul3A_2, %mul3A_448 : i32
        %dma_start3A_450 = arith.constant 9 : i32
        %dma_start3A_451 = arith.constant 0 : i32
        %dma_start3A_452 = arith.constant 0 : i32
        %dma_start3A_453 = tpu.memref_slice %arg7[%dma_start3A_450, %dma_start3A_451, %dma_start3A_452] : memref<10x128x64xf32, #tpu.memory_space<vmem>> -> memref<1x128x64xf32, #tpu.memory_space<vmem>>
        %dma_start3A_454 = tpu.memref_squeeze %dma_start3A_453 : memref<1x128x64xf32, #tpu.memory_space<vmem>> -> memref<128x64xf32, #tpu.memory_space<vmem>>
        %dma_start3A_455 = arith.constant 0 : i32
        %dma_start3A_456 = tpu.memref_slice %arg4[%add3A_449, %dma_start3A_455] : memref<409600x64xf32, #tpu.memory_space<hbm>> -> memref<128x64xf32, #tpu.memory_space<hbm>>
        %dma_start3A_457 = arith.constant 0 : i32
        %dma_start3A_458 = tpu.memref_slice %arg4[%add3A_449, %dma_start3A_457] : memref<409600x64xf32, #tpu.memory_space<hbm>> -> memref<128x64xf32, #tpu.memory_space<hbm>>
        %dma_start3A_459 = arith.constant 0 : i32
        %dma_start3A_460 = arith.constant 0 : i32
        %dma_start3A_461 = tpu.memref_slice %arg7[%dma_start3A_450, %dma_start3A_459, %dma_start3A_460] : memref<10x128x64xf32, #tpu.memory_space<vmem>> -> memref<1x128x64xf32, #tpu.memory_space<vmem>>
        %dma_start3A_462 = tpu.memref_squeeze %dma_start3A_461 : memref<1x128x64xf32, #tpu.memory_space<vmem>> -> memref<128x64xf32, #tpu.memory_space<vmem>>
        tpu.enqueue_dma source(%dma_start3A_462 : memref<128x64xf32, #tpu.memory_space<vmem>>) target(%dma_start3A_458 : memref<128x64xf32, #tpu.memory_space<hbm>>) target_semaphore(%arg27 : memref<!tpu.dma_semaphore, #tpu.memory_space<semaphore_mem>>)
      } else {
      }
      %mul3A_208 = arith.constant 10 : i32
      %mul3A_209 = arith.muli %scan3A_183, %mul3A_208 : i32
      %add3A_210 = arith.constant 1 : i32
      %add3A_211 = arith.addi %mul3A_209, %add3A_210 : i32
      %ge3A_212 = arith.constant 10 : i32
      %ge3A_213 = arith.cmpi sge, %add3A_211, %ge3A_212 : i32
      %convert_element_type3A_214 = arith.extui %ge3A_213 : i1 to i32
      %cond3A_215 = arith.constant 0 : i32
      %cond3A_216 = arith.cmpi ne, %convert_element_type3A_214, %cond3A_215 : i32
      scf.if %cond3A_216 {
        %sub3A = arith.constant 10 : i32
        %sub3A_433 = arith.subi %add3A_211, %sub3A : i32
        %mul3A_434 = arith.constant 128 : i32
        %mul3A_435 = arith.muli %sub3A_433, %mul3A_434 : i32
        %add3A_436 = arith.addi %mul3A_2, %mul3A_435 : i32
        %dma_wait3A_437 = arith.constant 1 : i32
        %dma_wait3A_438 = arith.constant 0 : i32
        %dma_wait3A_439 = arith.constant 0 : i32
        %dma_wait3A_440 = tpu.memref_slice %arg7[%dma_wait3A_437, %dma_wait3A_438, %dma_wait3A_439] : memref<10x128x64xf32, #tpu.memory_space<vmem>> -> memref<1x128x64xf32, #tpu.memory_space<vmem>>
        %dma_wait3A_441 = tpu.memref_squeeze %dma_wait3A_440 : memref<1x128x64xf32, #tpu.memory_space<vmem>> -> memref<128x64xf32, #tpu.memory_space<vmem>>
        %dma_wait3A_442 = arith.constant 0 : i32
        %dma_wait3A_443 = tpu.memref_slice %arg4[%add3A_436, %dma_wait3A_442] : memref<409600x64xf32, #tpu.memory_space<hbm>> -> memref<128x64xf32, #tpu.memory_space<hbm>>
        %dma_wait3A_444 = arith.constant 0 : i32
        %dma_wait3A_445 = tpu.memref_slice %arg4[%add3A_436, %dma_wait3A_444] : memref<409600x64xf32, #tpu.memory_space<hbm>> -> memref<128x64xf32, #tpu.memory_space<hbm>>
        %dma_wait3A_446 = arith.constant 0 : i32
        %dma_wait3A_447 = arith.constant 0 : i32
        %dma_wait3A_448 = tpu.memref_slice %arg7[%dma_wait3A_437, %dma_wait3A_446, %dma_wait3A_447] : memref<10x128x64xf32, #tpu.memory_space<vmem>> -> memref<1x128x64xf32, #tpu.memory_space<vmem>>
        %dma_wait3A_449 = tpu.memref_squeeze %dma_wait3A_448 : memref<1x128x64xf32, #tpu.memory_space<vmem>> -> memref<128x64xf32, #tpu.memory_space<vmem>>
        tpu.wait_dma2 semaphore(%arg19 : memref<!tpu.dma_semaphore, #tpu.memory_space<semaphore_mem>>) src(%dma_wait3A_449 : memref<128x64xf32, #tpu.memory_space<vmem>>) dst(%dma_wait3A_445 : memref<128x64xf32, #tpu.memory_space<hbm>>)
      } else {
      }
      %mul3A_217 = arith.constant 128 : i32
      %mul3A_218 = arith.muli %add3A_211, %mul3A_217 : i32
      %dma_start3A_219 = arith.constant 1 : i32
      %dma_start3A_220 = arith.constant 0 : i32
      %dma_start3A_221 = arith.constant 0 : i32
      %dma_start3A_222 = tpu.memref_slice %arg7[%dma_start3A_219, %dma_start3A_220, %dma_start3A_221] : memref<10x128x64xf32, #tpu.memory_space<vmem>> -> memref<1x128x64xf32, #tpu.memory_space<vmem>>
      %dma_start3A_223 = tpu.memref_squeeze %dma_start3A_222 : memref<1x128x64xf32, #tpu.memory_space<vmem>> -> memref<128x64xf32, #tpu.memory_space<vmem>>
      %dma_start3A_224 = tpu.memref_slice %arg6[%mul3A_218] : memref<12800xi32, #tpu.memory_space<vmem>> -> memref<128xi32, #tpu.memory_space<vmem>>
      %dma_start3A_225 = arith.constant 0 : i32
      %dma_start3A_226 = arith.constant 0 : i32
      %dma_start3A_227 = tpu.memref_slice %arg5[%dma_start3A_225, %dma_start3A_226] : memref<1000x64xf32, #tpu.memory_space<vmem_shared>> -> memref<1000x64xf32, #tpu.memory_space<vmem_shared>>
      tpu.enqueue_indirect_dma source(%dma_start3A_227 : memref<1000x64xf32, #tpu.memory_space<vmem_shared>>) target(%dma_start3A_223 : memref<128x64xf32, #tpu.memory_space<vmem>>) offsets(%dma_start3A_224 : memref<128xi32, #tpu.memory_space<vmem>>) semaphore(%arg9 : memref<!tpu.dma_semaphore, #tpu.memory_space<semaphore_mem>>)
      %ge3A_228 = arith.constant 1 : i32
      %ge3A_229 = arith.cmpi sge, %add3A_211, %ge3A_228 : i32
      %convert_element_type3A_230 = arith.extui %ge3A_229 : i1 to i32
      %cond3A_231 = arith.constant 0 : i32
      %cond3A_232 = arith.cmpi ne, %convert_element_type3A_230, %cond3A_231 : i32
      scf.if %cond3A_232 {
        %sub3A = arith.constant 1 : i32
        %sub3A_433 = arith.subi %add3A_211, %sub3A : i32
        %mul3A_434 = arith.constant 128 : i32
        %mul3A_435 = arith.muli %sub3A_433, %mul3A_434 : i32
        %dma_wait3A_436 = arith.constant 0 : i32
        %dma_wait3A_437 = arith.constant 0 : i32
        %dma_wait3A_438 = arith.constant 0 : i32
        %dma_wait3A_439 = tpu.memref_slice %arg7[%dma_wait3A_436, %dma_wait3A_437, %dma_wait3A_438] : memref<10x128x64xf32, #tpu.memory_space<vmem>> -> memref<1x128x64xf32, #tpu.memory_space<vmem>>
        %dma_wait3A_440 = tpu.memref_squeeze %dma_wait3A_439 : memref<1x128x64xf32, #tpu.memory_space<vmem>> -> memref<128x64xf32, #tpu.memory_space<vmem>>
        %dma_wait3A_441 = tpu.memref_slice %arg6[%mul3A_435] : memref<12800xi32, #tpu.memory_space<vmem>> -> memref<128xi32, #tpu.memory_space<vmem>>
        %dma_wait3A_442 = arith.constant 0 : i32
        %dma_wait3A_443 = arith.constant 0 : i32
        %dma_wait3A_444 = tpu.memref_slice %arg5[%dma_wait3A_442, %dma_wait3A_443] : memref<1000x64xf32, #tpu.memory_space<vmem_shared>> -> memref<1000x64xf32, #tpu.memory_space<vmem_shared>>
        tpu.wait_indirect_dma semaphore(%arg8 : memref<!tpu.dma_semaphore, #tpu.memory_space<semaphore_mem>>) src(%dma_wait3A_444 : memref<1000x64xf32, #tpu.memory_space<vmem_shared>>) dst(%dma_wait3A_440 : memref<128x64xf32, #tpu.memory_space<vmem>>)
        %sub3A_445 = arith.constant 1 : i32
        %sub3A_446 = arith.subi %add3A_211, %sub3A_445 : i32
        %mul3A_447 = arith.constant 128 : i32
        %mul3A_448 = arith.muli %sub3A_446, %mul3A_447 : i32
        %add3A_449 = arith.addi %mul3A_2, %mul3A_448 : i32
        %dma_start3A_450 = arith.constant 0 : i32
        %dma_start3A_451 = arith.constant 0 : i32
        %dma_start3A_452 = arith.constant 0 : i32
        %dma_start3A_453 = tpu.memref_slice %arg7[%dma_start3A_450, %dma_start3A_451, %dma_start3A_452] : memref<10x128x64xf32, #tpu.memory_space<vmem>> -> memref<1x128x64xf32, #tpu.memory_space<vmem>>
        %dma_start3A_454 = tpu.memref_squeeze %dma_start3A_453 : memref<1x128x64xf32, #tpu.memory_space<vmem>> -> memref<128x64xf32, #tpu.memory_space<vmem>>
        %dma_start3A_455 = arith.constant 0 : i32
        %dma_start3A_456 = tpu.memref_slice %arg4[%add3A_449, %dma_start3A_455] : memref<409600x64xf32, #tpu.memory_space<hbm>> -> memref<128x64xf32, #tpu.memory_space<hbm>>
        %dma_start3A_457 = arith.constant 0 : i32
        %dma_start3A_458 = tpu.memref_slice %arg4[%add3A_449, %dma_start3A_457] : memref<409600x64xf32, #tpu.memory_space<hbm>> -> memref<128x64xf32, #tpu.memory_space<hbm>>
        %dma_start3A_459 = arith.constant 0 : i32
        %dma_start3A_460 = arith.constant 0 : i32
        %dma_start3A_461 = tpu.memref_slice %arg7[%dma_start3A_450, %dma_start3A_459, %dma_start3A_460] : memref<10x128x64xf32, #tpu.memory_space<vmem>> -> memref<1x128x64xf32, #tpu.memory_space<vmem>>
        %dma_start3A_462 = tpu.memref_squeeze %dma_start3A_461 : memref<1x128x64xf32, #tpu.memory_space<vmem>> -> memref<128x64xf32, #tpu.memory_space<vmem>>
        tpu.enqueue_dma source(%dma_start3A_462 : memref<128x64xf32, #tpu.memory_space<vmem>>) target(%dma_start3A_458 : memref<128x64xf32, #tpu.memory_space<hbm>>) target_semaphore(%arg18 : memref<!tpu.dma_semaphore, #tpu.memory_space<semaphore_mem>>)
      } else {
      }
      %mul3A_233 = arith.constant 10 : i32
      %mul3A_234 = arith.muli %scan3A_183, %mul3A_233 : i32
      %add3A_235 = arith.constant 2 : i32
      %add3A_236 = arith.addi %mul3A_234, %add3A_235 : i32
      %ge3A_237 = arith.constant 10 : i32
      %ge3A_238 = arith.cmpi sge, %add3A_236, %ge3A_237 : i32
      %convert_element_type3A_239 = arith.extui %ge3A_238 : i1 to i32
      %cond3A_240 = arith.constant 0 : i32
      %cond3A_241 = arith.cmpi ne, %convert_element_type3A_239, %cond3A_240 : i32
      scf.if %cond3A_241 {
        %sub3A = arith.constant 10 : i32
        %sub3A_433 = arith.subi %add3A_236, %sub3A : i32
        %mul3A_434 = arith.constant 128 : i32
        %mul3A_435 = arith.muli %sub3A_433, %mul3A_434 : i32
        %add3A_436 = arith.addi %mul3A_2, %mul3A_435 : i32
        %dma_wait3A_437 = arith.constant 2 : i32
        %dma_wait3A_438 = arith.constant 0 : i32
        %dma_wait3A_439 = arith.constant 0 : i32
        %dma_wait3A_440 = tpu.memref_slice %arg7[%dma_wait3A_437, %dma_wait3A_438, %dma_wait3A_439] : memref<10x128x64xf32, #tpu.memory_space<vmem>> -> memref<1x128x64xf32, #tpu.memory_space<vmem>>
        %dma_wait3A_441 = tpu.memref_squeeze %dma_wait3A_440 : memref<1x128x64xf32, #tpu.memory_space<vmem>> -> memref<128x64xf32, #tpu.memory_space<vmem>>
        %dma_wait3A_442 = arith.constant 0 : i32
        %dma_wait3A_443 = tpu.memref_slice %arg4[%add3A_436, %dma_wait3A_442] : memref<409600x64xf32, #tpu.memory_space<hbm>> -> memref<128x64xf32, #tpu.memory_space<hbm>>
        %dma_wait3A_444 = arith.constant 0 : i32
        %dma_wait3A_445 = tpu.memref_slice %arg4[%add3A_436, %dma_wait3A_444] : memref<409600x64xf32, #tpu.memory_space<hbm>> -> memref<128x64xf32, #tpu.memory_space<hbm>>
        %dma_wait3A_446 = arith.constant 0 : i32
        %dma_wait3A_447 = arith.constant 0 : i32
        %dma_wait3A_448 = tpu.memref_slice %arg7[%dma_wait3A_437, %dma_wait3A_446, %dma_wait3A_447] : memref<10x128x64xf32, #tpu.memory_space<vmem>> -> memref<1x128x64xf32, #tpu.memory_space<vmem>>
        %dma_wait3A_449 = tpu.memref_squeeze %dma_wait3A_448 : memref<1x128x64xf32, #tpu.memory_space<vmem>> -> memref<128x64xf32, #tpu.memory_space<vmem>>
        tpu.wait_dma2 semaphore(%arg20 : memref<!tpu.dma_semaphore, #tpu.memory_space<semaphore_mem>>) src(%dma_wait3A_449 : memref<128x64xf32, #tpu.memory_space<vmem>>) dst(%dma_wait3A_445 : memref<128x64xf32, #tpu.memory_space<hbm>>)
      } else {
      }
      %mul3A_242 = arith.constant 128 : i32
      %mul3A_243 = arith.muli %add3A_236, %mul3A_242 : i32
      %dma_start3A_244 = arith.constant 2 : i32
      %dma_start3A_245 = arith.constant 0 : i32
      %dma_start3A_246 = arith.constant 0 : i32
      %dma_start3A_247 = tpu.memref_slice %arg7[%dma_start3A_244, %dma_start3A_245, %dma_start3A_246] : memref<10x128x64xf32, #tpu.memory_space<vmem>> -> memref<1x128x64xf32, #tpu.memory_space<vmem>>
      %dma_start3A_248 = tpu.memref_squeeze %dma_start3A_247 : memref<1x128x64xf32, #tpu.memory_space<vmem>> -> memref<128x64xf32, #tpu.memory_space<vmem>>
      %dma_start3A_249 = tpu.memref_slice %arg6[%mul3A_243] : memref<12800xi32, #tpu.memory_space<vmem>> -> memref<128xi32, #tpu.memory_space<vmem>>
      %dma_start3A_250 = arith.constant 0 : i32
      %dma_start3A_251 = arith.constant 0 : i32
      %dma_start3A_252 = tpu.memref_slice %arg5[%dma_start3A_250, %dma_start3A_251] : memref<1000x64xf32, #tpu.memory_space<vmem_shared>> -> memref<1000x64xf32, #tpu.memory_space<vmem_shared>>
      tpu.enqueue_indirect_dma source(%dma_start3A_252 : memref<1000x64xf32, #tpu.memory_space<vmem_shared>>) target(%dma_start3A_248 : memref<128x64xf32, #tpu.memory_space<vmem>>) offsets(%dma_start3A_249 : memref<128xi32, #tpu.memory_space<vmem>>) semaphore(%arg10 : memref<!tpu.dma_semaphore, #tpu.memory_space<semaphore_mem>>)
      %ge3A_253 = arith.constant 1 : i32
      %ge3A_254 = arith.cmpi sge, %add3A_236, %ge3A_253 : i32
      %convert_element_type3A_255 = arith.extui %ge3A_254 : i1 to i32
      %cond3A_256 = arith.constant 0 : i32
      %cond3A_257 = arith.cmpi ne, %convert_element_type3A_255, %cond3A_256 : i32
      scf.if %cond3A_257 {
        %sub3A = arith.constant 1 : i32
        %sub3A_433 = arith.subi %add3A_236, %sub3A : i32
        %mul3A_434 = arith.constant 128 : i32
        %mul3A_435 = arith.muli %sub3A_433, %mul3A_434 : i32
        %dma_wait3A_436 = arith.constant 1 : i32
        %dma_wait3A_437 = arith.constant 0 : i32
        %dma_wait3A_438 = arith.constant 0 : i32
        %dma_wait3A_439 = tpu.memref_slice %arg7[%dma_wait3A_436, %dma_wait3A_437, %dma_wait3A_438] : memref<10x128x64xf32, #tpu.memory_space<vmem>> -> memref<1x128x64xf32, #tpu.memory_space<vmem>>
        %dma_wait3A_440 = tpu.memref_squeeze %dma_wait3A_439 : memref<1x128x64xf32, #tpu.memory_space<vmem>> -> memref<128x64xf32, #tpu.memory_space<vmem>>
        %dma_wait3A_441 = tpu.memref_slice %arg6[%mul3A_435] : memref<12800xi32, #tpu.memory_space<vmem>> -> memref<128xi32, #tpu.memory_space<vmem>>
        %dma_wait3A_442 = arith.constant 0 : i32
        %dma_wait3A_443 = arith.constant 0 : i32
        %dma_wait3A_444 = tpu.memref_slice %arg5[%dma_wait3A_442, %dma_wait3A_443] : memref<1000x64xf32, #tpu.memory_space<vmem_shared>> -> memref<1000x64xf32, #tpu.memory_space<vmem_shared>>
        tpu.wait_indirect_dma semaphore(%arg9 : memref<!tpu.dma_semaphore, #tpu.memory_space<semaphore_mem>>) src(%dma_wait3A_444 : memref<1000x64xf32, #tpu.memory_space<vmem_shared>>) dst(%dma_wait3A_440 : memref<128x64xf32, #tpu.memory_space<vmem>>)
        %sub3A_445 = arith.constant 1 : i32
        %sub3A_446 = arith.subi %add3A_236, %sub3A_445 : i32
        %mul3A_447 = arith.constant 128 : i32
        %mul3A_448 = arith.muli %sub3A_446, %mul3A_447 : i32
        %add3A_449 = arith.addi %mul3A_2, %mul3A_448 : i32
        %dma_start3A_450 = arith.constant 1 : i32
        %dma_start3A_451 = arith.constant 0 : i32
        %dma_start3A_452 = arith.constant 0 : i32
        %dma_start3A_453 = tpu.memref_slice %arg7[%dma_start3A_450, %dma_start3A_451, %dma_start3A_452] : memref<10x128x64xf32, #tpu.memory_space<vmem>> -> memref<1x128x64xf32, #tpu.memory_space<vmem>>
        %dma_start3A_454 = tpu.memref_squeeze %dma_start3A_453 : memref<1x128x64xf32, #tpu.memory_space<vmem>> -> memref<128x64xf32, #tpu.memory_space<vmem>>
        %dma_start3A_455 = arith.constant 0 : i32
        %dma_start3A_456 = tpu.memref_slice %arg4[%add3A_449, %dma_start3A_455] : memref<409600x64xf32, #tpu.memory_space<hbm>> -> memref<128x64xf32, #tpu.memory_space<hbm>>
        %dma_start3A_457 = arith.constant 0 : i32
        %dma_start3A_458 = tpu.memref_slice %arg4[%add3A_449, %dma_start3A_457] : memref<409600x64xf32, #tpu.memory_space<hbm>> -> memref<128x64xf32, #tpu.memory_space<hbm>>
        %dma_start3A_459 = arith.constant 0 : i32
        %dma_start3A_460 = arith.constant 0 : i32
        %dma_start3A_461 = tpu.memref_slice %arg7[%dma_start3A_450, %dma_start3A_459, %dma_start3A_460] : memref<10x128x64xf32, #tpu.memory_space<vmem>> -> memref<1x128x64xf32, #tpu.memory_space<vmem>>
        %dma_start3A_462 = tpu.memref_squeeze %dma_start3A_461 : memref<1x128x64xf32, #tpu.memory_space<vmem>> -> memref<128x64xf32, #tpu.memory_space<vmem>>
        tpu.enqueue_dma source(%dma_start3A_462 : memref<128x64xf32, #tpu.memory_space<vmem>>) target(%dma_start3A_458 : memref<128x64xf32, #tpu.memory_space<hbm>>) target_semaphore(%arg19 : memref<!tpu.dma_semaphore, #tpu.memory_space<semaphore_mem>>)
      } else {
      }
      %mul3A_258 = arith.constant 10 : i32
      %mul3A_259 = arith.muli %scan3A_183, %mul3A_258 : i32
      %add3A_260 = arith.constant 3 : i32
      %add3A_261 = arith.addi %mul3A_259, %add3A_260 : i32
      %ge3A_262 = arith.constant 10 : i32
      %ge3A_263 = arith.cmpi sge, %add3A_261, %ge3A_262 : i32
      %convert_element_type3A_264 = arith.extui %ge3A_263 : i1 to i32
      %cond3A_265 = arith.constant 0 : i32
      %cond3A_266 = arith.cmpi ne, %convert_element_type3A_264, %cond3A_265 : i32
      scf.if %cond3A_266 {
        %sub3A = arith.constant 10 : i32
        %sub3A_433 = arith.subi %add3A_261, %sub3A : i32
        %mul3A_434 = arith.constant 128 : i32
        %mul3A_435 = arith.muli %sub3A_433, %mul3A_434 : i32
        %add3A_436 = arith.addi %mul3A_2, %mul3A_435 : i32
        %dma_wait3A_437 = arith.constant 3 : i32
        %dma_wait3A_438 = arith.constant 0 : i32
        %dma_wait3A_439 = arith.constant 0 : i32
        %dma_wait3A_440 = tpu.memref_slice %arg7[%dma_wait3A_437, %dma_wait3A_438, %dma_wait3A_439] : memref<10x128x64xf32, #tpu.memory_space<vmem>> -> memref<1x128x64xf32, #tpu.memory_space<vmem>>
        %dma_wait3A_441 = tpu.memref_squeeze %dma_wait3A_440 : memref<1x128x64xf32, #tpu.memory_space<vmem>> -> memref<128x64xf32, #tpu.memory_space<vmem>>
        %dma_wait3A_442 = arith.constant 0 : i32
        %dma_wait3A_443 = tpu.memref_slice %arg4[%add3A_436, %dma_wait3A_442] : memref<409600x64xf32, #tpu.memory_space<hbm>> -> memref<128x64xf32, #tpu.memory_space<hbm>>
        %dma_wait3A_444 = arith.constant 0 : i32
        %dma_wait3A_445 = tpu.memref_slice %arg4[%add3A_436, %dma_wait3A_444] : memref<409600x64xf32, #tpu.memory_space<hbm>> -> memref<128x64xf32, #tpu.memory_space<hbm>>
        %dma_wait3A_446 = arith.constant 0 : i32
        %dma_wait3A_447 = arith.constant 0 : i32
        %dma_wait3A_448 = tpu.memref_slice %arg7[%dma_wait3A_437, %dma_wait3A_446, %dma_wait3A_447] : memref<10x128x64xf32, #tpu.memory_space<vmem>> -> memref<1x128x64xf32, #tpu.memory_space<vmem>>
        %dma_wait3A_449 = tpu.memref_squeeze %dma_wait3A_448 : memref<1x128x64xf32, #tpu.memory_space<vmem>> -> memref<128x64xf32, #tpu.memory_space<vmem>>
        tpu.wait_dma2 semaphore(%arg21 : memref<!tpu.dma_semaphore, #tpu.memory_space<semaphore_mem>>) src(%dma_wait3A_449 : memref<128x64xf32, #tpu.memory_space<vmem>>) dst(%dma_wait3A_445 : memref<128x64xf32, #tpu.memory_space<hbm>>)
      } else {
      }
      %mul3A_267 = arith.constant 128 : i32
      %mul3A_268 = arith.muli %add3A_261, %mul3A_267 : i32
      %dma_start3A_269 = arith.constant 3 : i32
      %dma_start3A_270 = arith.constant 0 : i32
      %dma_start3A_271 = arith.constant 0 : i32
      %dma_start3A_272 = tpu.memref_slice %arg7[%dma_start3A_269, %dma_start3A_270, %dma_start3A_271] : memref<10x128x64xf32, #tpu.memory_space<vmem>> -> memref<1x128x64xf32, #tpu.memory_space<vmem>>
      %dma_start3A_273 = tpu.memref_squeeze %dma_start3A_272 : memref<1x128x64xf32, #tpu.memory_space<vmem>> -> memref<128x64xf32, #tpu.memory_space<vmem>>
      %dma_start3A_274 = tpu.memref_slice %arg6[%mul3A_268] : memref<12800xi32, #tpu.memory_space<vmem>> -> memref<128xi32, #tpu.memory_space<vmem>>
      %dma_start3A_275 = arith.constant 0 : i32
      %dma_start3A_276 = arith.constant 0 : i32
      %dma_start3A_277 = tpu.memref_slice %arg5[%dma_start3A_275, %dma_start3A_276] : memref<1000x64xf32, #tpu.memory_space<vmem_shared>> -> memref<1000x64xf32, #tpu.memory_space<vmem_shared>>
      tpu.enqueue_indirect_dma source(%dma_start3A_277 : memref<1000x64xf32, #tpu.memory_space<vmem_shared>>) target(%dma_start3A_273 : memref<128x64xf32, #tpu.memory_space<vmem>>) offsets(%dma_start3A_274 : memref<128xi32, #tpu.memory_space<vmem>>) semaphore(%arg11 : memref<!tpu.dma_semaphore, #tpu.memory_space<semaphore_mem>>)
      %ge3A_278 = arith.constant 1 : i32
      %ge3A_279 = arith.cmpi sge, %add3A_261, %ge3A_278 : i32
      %convert_element_type3A_280 = arith.extui %ge3A_279 : i1 to i32
      %cond3A_281 = arith.constant 0 : i32
      %cond3A_282 = arith.cmpi ne, %convert_element_type3A_280, %cond3A_281 : i32
      scf.if %cond3A_282 {
        %sub3A = arith.constant 1 : i32
        %sub3A_433 = arith.subi %add3A_261, %sub3A : i32
        %mul3A_434 = arith.constant 128 : i32
        %mul3A_435 = arith.muli %sub3A_433, %mul3A_434 : i32
        %dma_wait3A_436 = arith.constant 2 : i32
        %dma_wait3A_437 = arith.constant 0 : i32
        %dma_wait3A_438 = arith.constant 0 : i32
        %dma_wait3A_439 = tpu.memref_slice %arg7[%dma_wait3A_436, %dma_wait3A_437, %dma_wait3A_438] : memref<10x128x64xf32, #tpu.memory_space<vmem>> -> memref<1x128x64xf32, #tpu.memory_space<vmem>>
        %dma_wait3A_440 = tpu.memref_squeeze %dma_wait3A_439 : memref<1x128x64xf32, #tpu.memory_space<vmem>> -> memref<128x64xf32, #tpu.memory_space<vmem>>
        %dma_wait3A_441 = tpu.memref_slice %arg6[%mul3A_435] : memref<12800xi32, #tpu.memory_space<vmem>> -> memref<128xi32, #tpu.memory_space<vmem>>
        %dma_wait3A_442 = arith.constant 0 : i32
        %dma_wait3A_443 = arith.constant 0 : i32
        %dma_wait3A_444 = tpu.memref_slice %arg5[%dma_wait3A_442, %dma_wait3A_443] : memref<1000x64xf32, #tpu.memory_space<vmem_shared>> -> memref<1000x64xf32, #tpu.memory_space<vmem_shared>>
        tpu.wait_indirect_dma semaphore(%arg10 : memref<!tpu.dma_semaphore, #tpu.memory_space<semaphore_mem>>) src(%dma_wait3A_444 : memref<1000x64xf32, #tpu.memory_space<vmem_shared>>) dst(%dma_wait3A_440 : memref<128x64xf32, #tpu.memory_space<vmem>>)
        %sub3A_445 = arith.constant 1 : i32
        %sub3A_446 = arith.subi %add3A_261, %sub3A_445 : i32
        %mul3A_447 = arith.constant 128 : i32
        %mul3A_448 = arith.muli %sub3A_446, %mul3A_447 : i32
        %add3A_449 = arith.addi %mul3A_2, %mul3A_448 : i32
        %dma_start3A_450 = arith.constant 2 : i32
        %dma_start3A_451 = arith.constant 0 : i32
        %dma_start3A_452 = arith.constant 0 : i32
        %dma_start3A_453 = tpu.memref_slice %arg7[%dma_start3A_450, %dma_start3A_451, %dma_start3A_452] : memref<10x128x64xf32, #tpu.memory_space<vmem>> -> memref<1x128x64xf32, #tpu.memory_space<vmem>>
        %dma_start3A_454 = tpu.memref_squeeze %dma_start3A_453 : memref<1x128x64xf32, #tpu.memory_space<vmem>> -> memref<128x64xf32, #tpu.memory_space<vmem>>
        %dma_start3A_455 = arith.constant 0 : i32
        %dma_start3A_456 = tpu.memref_slice %arg4[%add3A_449, %dma_start3A_455] : memref<409600x64xf32, #tpu.memory_space<hbm>> -> memref<128x64xf32, #tpu.memory_space<hbm>>
        %dma_start3A_457 = arith.constant 0 : i32
        %dma_start3A_458 = tpu.memref_slice %arg4[%add3A_449, %dma_start3A_457] : memref<409600x64xf32, #tpu.memory_space<hbm>> -> memref<128x64xf32, #tpu.memory_space<hbm>>
        %dma_start3A_459 = arith.constant 0 : i32
        %dma_start3A_460 = arith.constant 0 : i32
        %dma_start3A_461 = tpu.memref_slice %arg7[%dma_start3A_450, %dma_start3A_459, %dma_start3A_460] : memref<10x128x64xf32, #tpu.memory_space<vmem>> -> memref<1x128x64xf32, #tpu.memory_space<vmem>>
        %dma_start3A_462 = tpu.memref_squeeze %dma_start3A_461 : memref<1x128x64xf32, #tpu.memory_space<vmem>> -> memref<128x64xf32, #tpu.memory_space<vmem>>
        tpu.enqueue_dma source(%dma_start3A_462 : memref<128x64xf32, #tpu.memory_space<vmem>>) target(%dma_start3A_458 : memref<128x64xf32, #tpu.memory_space<hbm>>) target_semaphore(%arg20 : memref<!tpu.dma_semaphore, #tpu.memory_space<semaphore_mem>>)
      } else {
      }
      %mul3A_283 = arith.constant 10 : i32
      %mul3A_284 = arith.muli %scan3A_183, %mul3A_283 : i32
      %add3A_285 = arith.constant 4 : i32
      %add3A_286 = arith.addi %mul3A_284, %add3A_285 : i32
      %ge3A_287 = arith.constant 10 : i32
      %ge3A_288 = arith.cmpi sge, %add3A_286, %ge3A_287 : i32
      %convert_element_type3A_289 = arith.extui %ge3A_288 : i1 to i32
      %cond3A_290 = arith.constant 0 : i32
      %cond3A_291 = arith.cmpi ne, %convert_element_type3A_289, %cond3A_290 : i32
      scf.if %cond3A_291 {
        %sub3A = arith.constant 10 : i32
        %sub3A_433 = arith.subi %add3A_286, %sub3A : i32
        %mul3A_434 = arith.constant 128 : i32
        %mul3A_435 = arith.muli %sub3A_433, %mul3A_434 : i32
        %add3A_436 = arith.addi %mul3A_2, %mul3A_435 : i32
        %dma_wait3A_437 = arith.constant 4 : i32
        %dma_wait3A_438 = arith.constant 0 : i32
        %dma_wait3A_439 = arith.constant 0 : i32
        %dma_wait3A_440 = tpu.memref_slice %arg7[%dma_wait3A_437, %dma_wait3A_438, %dma_wait3A_439] : memref<10x128x64xf32, #tpu.memory_space<vmem>> -> memref<1x128x64xf32, #tpu.memory_space<vmem>>
        %dma_wait3A_441 = tpu.memref_squeeze %dma_wait3A_440 : memref<1x128x64xf32, #tpu.memory_space<vmem>> -> memref<128x64xf32, #tpu.memory_space<vmem>>
        %dma_wait3A_442 = arith.constant 0 : i32
        %dma_wait3A_443 = tpu.memref_slice %arg4[%add3A_436, %dma_wait3A_442] : memref<409600x64xf32, #tpu.memory_space<hbm>> -> memref<128x64xf32, #tpu.memory_space<hbm>>
        %dma_wait3A_444 = arith.constant 0 : i32
        %dma_wait3A_445 = tpu.memref_slice %arg4[%add3A_436, %dma_wait3A_444] : memref<409600x64xf32, #tpu.memory_space<hbm>> -> memref<128x64xf32, #tpu.memory_space<hbm>>
        %dma_wait3A_446 = arith.constant 0 : i32
        %dma_wait3A_447 = arith.constant 0 : i32
        %dma_wait3A_448 = tpu.memref_slice %arg7[%dma_wait3A_437, %dma_wait3A_446, %dma_wait3A_447] : memref<10x128x64xf32, #tpu.memory_space<vmem>> -> memref<1x128x64xf32, #tpu.memory_space<vmem>>
        %dma_wait3A_449 = tpu.memref_squeeze %dma_wait3A_448 : memref<1x128x64xf32, #tpu.memory_space<vmem>> -> memref<128x64xf32, #tpu.memory_space<vmem>>
        tpu.wait_dma2 semaphore(%arg22 : memref<!tpu.dma_semaphore, #tpu.memory_space<semaphore_mem>>) src(%dma_wait3A_449 : memref<128x64xf32, #tpu.memory_space<vmem>>) dst(%dma_wait3A_445 : memref<128x64xf32, #tpu.memory_space<hbm>>)
      } else {
      }
      %mul3A_292 = arith.constant 128 : i32
      %mul3A_293 = arith.muli %add3A_286, %mul3A_292 : i32
      %dma_start3A_294 = arith.constant 4 : i32
      %dma_start3A_295 = arith.constant 0 : i32
      %dma_start3A_296 = arith.constant 0 : i32
      %dma_start3A_297 = tpu.memref_slice %arg7[%dma_start3A_294, %dma_start3A_295, %dma_start3A_296] : memref<10x128x64xf32, #tpu.memory_space<vmem>> -> memref<1x128x64xf32, #tpu.memory_space<vmem>>
      %dma_start3A_298 = tpu.memref_squeeze %dma_start3A_297 : memref<1x128x64xf32, #tpu.memory_space<vmem>> -> memref<128x64xf32, #tpu.memory_space<vmem>>
      %dma_start3A_299 = tpu.memref_slice %arg6[%mul3A_293] : memref<12800xi32, #tpu.memory_space<vmem>> -> memref<128xi32, #tpu.memory_space<vmem>>
      %dma_start3A_300 = arith.constant 0 : i32
      %dma_start3A_301 = arith.constant 0 : i32
      %dma_start3A_302 = tpu.memref_slice %arg5[%dma_start3A_300, %dma_start3A_301] : memref<1000x64xf32, #tpu.memory_space<vmem_shared>> -> memref<1000x64xf32, #tpu.memory_space<vmem_shared>>
      tpu.enqueue_indirect_dma source(%dma_start3A_302 : memref<1000x64xf32, #tpu.memory_space<vmem_shared>>) target(%dma_start3A_298 : memref<128x64xf32, #tpu.memory_space<vmem>>) offsets(%dma_start3A_299 : memref<128xi32, #tpu.memory_space<vmem>>) semaphore(%arg12 : memref<!tpu.dma_semaphore, #tpu.memory_space<semaphore_mem>>)
      %ge3A_303 = arith.constant 1 : i32
      %ge3A_304 = arith.cmpi sge, %add3A_286, %ge3A_303 : i32
      %convert_element_type3A_305 = arith.extui %ge3A_304 : i1 to i32
      %cond3A_306 = arith.constant 0 : i32
      %cond3A_307 = arith.cmpi ne, %convert_element_type3A_305, %cond3A_306 : i32
      scf.if %cond3A_307 {
        %sub3A = arith.constant 1 : i32
        %sub3A_433 = arith.subi %add3A_286, %sub3A : i32
        %mul3A_434 = arith.constant 128 : i32
        %mul3A_435 = arith.muli %sub3A_433, %mul3A_434 : i32
        %dma_wait3A_436 = arith.constant 3 : i32
        %dma_wait3A_437 = arith.constant 0 : i32
        %dma_wait3A_438 = arith.constant 0 : i32
        %dma_wait3A_439 = tpu.memref_slice %arg7[%dma_wait3A_436, %dma_wait3A_437, %dma_wait3A_438] : memref<10x128x64xf32, #tpu.memory_space<vmem>> -> memref<1x128x64xf32, #tpu.memory_space<vmem>>
        %dma_wait3A_440 = tpu.memref_squeeze %dma_wait3A_439 : memref<1x128x64xf32, #tpu.memory_space<vmem>> -> memref<128x64xf32, #tpu.memory_space<vmem>>
        %dma_wait3A_441 = tpu.memref_slice %arg6[%mul3A_435] : memref<12800xi32, #tpu.memory_space<vmem>> -> memref<128xi32, #tpu.memory_space<vmem>>
        %dma_wait3A_442 = arith.constant 0 : i32
        %dma_wait3A_443 = arith.constant 0 : i32
        %dma_wait3A_444 = tpu.memref_slice %arg5[%dma_wait3A_442, %dma_wait3A_443] : memref<1000x64xf32, #tpu.memory_space<vmem_shared>> -> memref<1000x64xf32, #tpu.memory_space<vmem_shared>>
        tpu.wait_indirect_dma semaphore(%arg11 : memref<!tpu.dma_semaphore, #tpu.memory_space<semaphore_mem>>) src(%dma_wait3A_444 : memref<1000x64xf32, #tpu.memory_space<vmem_shared>>) dst(%dma_wait3A_440 : memref<128x64xf32, #tpu.memory_space<vmem>>)
        %sub3A_445 = arith.constant 1 : i32
        %sub3A_446 = arith.subi %add3A_286, %sub3A_445 : i32
        %mul3A_447 = arith.constant 128 : i32
        %mul3A_448 = arith.muli %sub3A_446, %mul3A_447 : i32
        %add3A_449 = arith.addi %mul3A_2, %mul3A_448 : i32
        %dma_start3A_450 = arith.constant 3 : i32
        %dma_start3A_451 = arith.constant 0 : i32
        %dma_start3A_452 = arith.constant 0 : i32
        %dma_start3A_453 = tpu.memref_slice %arg7[%dma_start3A_450, %dma_start3A_451, %dma_start3A_452] : memref<10x128x64xf32, #tpu.memory_space<vmem>> -> memref<1x128x64xf32, #tpu.memory_space<vmem>>
        %dma_start3A_454 = tpu.memref_squeeze %dma_start3A_453 : memref<1x128x64xf32, #tpu.memory_space<vmem>> -> memref<128x64xf32, #tpu.memory_space<vmem>>
        %dma_start3A_455 = arith.constant 0 : i32
        %dma_start3A_456 = tpu.memref_slice %arg4[%add3A_449, %dma_start3A_455] : memref<409600x64xf32, #tpu.memory_space<hbm>> -> memref<128x64xf32, #tpu.memory_space<hbm>>
        %dma_start3A_457 = arith.constant 0 : i32
        %dma_start3A_458 = tpu.memref_slice %arg4[%add3A_449, %dma_start3A_457] : memref<409600x64xf32, #tpu.memory_space<hbm>> -> memref<128x64xf32, #tpu.memory_space<hbm>>
        %dma_start3A_459 = arith.constant 0 : i32
        %dma_start3A_460 = arith.constant 0 : i32
        %dma_start3A_461 = tpu.memref_slice %arg7[%dma_start3A_450, %dma_start3A_459, %dma_start3A_460] : memref<10x128x64xf32, #tpu.memory_space<vmem>> -> memref<1x128x64xf32, #tpu.memory_space<vmem>>
        %dma_start3A_462 = tpu.memref_squeeze %dma_start3A_461 : memref<1x128x64xf32, #tpu.memory_space<vmem>> -> memref<128x64xf32, #tpu.memory_space<vmem>>
        tpu.enqueue_dma source(%dma_start3A_462 : memref<128x64xf32, #tpu.memory_space<vmem>>) target(%dma_start3A_458 : memref<128x64xf32, #tpu.memory_space<hbm>>) target_semaphore(%arg21 : memref<!tpu.dma_semaphore, #tpu.memory_space<semaphore_mem>>)
      } else {
      }
      %mul3A_308 = arith.constant 10 : i32
      %mul3A_309 = arith.muli %scan3A_183, %mul3A_308 : i32
      %add3A_310 = arith.constant 5 : i32
      %add3A_311 = arith.addi %mul3A_309, %add3A_310 : i32
      %ge3A_312 = arith.constant 10 : i32
      %ge3A_313 = arith.cmpi sge, %add3A_311, %ge3A_312 : i32
      %convert_element_type3A_314 = arith.extui %ge3A_313 : i1 to i32
      %cond3A_315 = arith.constant 0 : i32
      %cond3A_316 = arith.cmpi ne, %convert_element_type3A_314, %cond3A_315 : i32
      scf.if %cond3A_316 {
        %sub3A = arith.constant 10 : i32
        %sub3A_433 = arith.subi %add3A_311, %sub3A : i32
        %mul3A_434 = arith.constant 128 : i32
        %mul3A_435 = arith.muli %sub3A_433, %mul3A_434 : i32
        %add3A_436 = arith.addi %mul3A_2, %mul3A_435 : i32
        %dma_wait3A_437 = arith.constant 5 : i32
        %dma_wait3A_438 = arith.constant 0 : i32
        %dma_wait3A_439 = arith.constant 0 : i32
        %dma_wait3A_440 = tpu.memref_slice %arg7[%dma_wait3A_437, %dma_wait3A_438, %dma_wait3A_439] : memref<10x128x64xf32, #tpu.memory_space<vmem>> -> memref<1x128x64xf32, #tpu.memory_space<vmem>>
        %dma_wait3A_441 = tpu.memref_squeeze %dma_wait3A_440 : memref<1x128x64xf32, #tpu.memory_space<vmem>> -> memref<128x64xf32, #tpu.memory_space<vmem>>
        %dma_wait3A_442 = arith.constant 0 : i32
        %dma_wait3A_443 = tpu.memref_slice %arg4[%add3A_436, %dma_wait3A_442] : memref<409600x64xf32, #tpu.memory_space<hbm>> -> memref<128x64xf32, #tpu.memory_space<hbm>>
        %dma_wait3A_444 = arith.constant 0 : i32
        %dma_wait3A_445 = tpu.memref_slice %arg4[%add3A_436, %dma_wait3A_444] : memref<409600x64xf32, #tpu.memory_space<hbm>> -> memref<128x64xf32, #tpu.memory_space<hbm>>
        %dma_wait3A_446 = arith.constant 0 : i32
        %dma_wait3A_447 = arith.constant 0 : i32
        %dma_wait3A_448 = tpu.memref_slice %arg7[%dma_wait3A_437, %dma_wait3A_446, %dma_wait3A_447] : memref<10x128x64xf32, #tpu.memory_space<vmem>> -> memref<1x128x64xf32, #tpu.memory_space<vmem>>
        %dma_wait3A_449 = tpu.memref_squeeze %dma_wait3A_448 : memref<1x128x64xf32, #tpu.memory_space<vmem>> -> memref<128x64xf32, #tpu.memory_space<vmem>>
        tpu.wait_dma2 semaphore(%arg23 : memref<!tpu.dma_semaphore, #tpu.memory_space<semaphore_mem>>) src(%dma_wait3A_449 : memref<128x64xf32, #tpu.memory_space<vmem>>) dst(%dma_wait3A_445 : memref<128x64xf32, #tpu.memory_space<hbm>>)
      } else {
      }
      %mul3A_317 = arith.constant 128 : i32
      %mul3A_318 = arith.muli %add3A_311, %mul3A_317 : i32
      %dma_start3A_319 = arith.constant 5 : i32
      %dma_start3A_320 = arith.constant 0 : i32
      %dma_start3A_321 = arith.constant 0 : i32
      %dma_start3A_322 = tpu.memref_slice %arg7[%dma_start3A_319, %dma_start3A_320, %dma_start3A_321] : memref<10x128x64xf32, #tpu.memory_space<vmem>> -> memref<1x128x64xf32, #tpu.memory_space<vmem>>
      %dma_start3A_323 = tpu.memref_squeeze %dma_start3A_322 : memref<1x128x64xf32, #tpu.memory_space<vmem>> -> memref<128x64xf32, #tpu.memory_space<vmem>>
      %dma_start3A_324 = tpu.memref_slice %arg6[%mul3A_318] : memref<12800xi32, #tpu.memory_space<vmem>> -> memref<128xi32, #tpu.memory_space<vmem>>
      %dma_start3A_325 = arith.constant 0 : i32
      %dma_start3A_326 = arith.constant 0 : i32
      %dma_start3A_327 = tpu.memref_slice %arg5[%dma_start3A_325, %dma_start3A_326] : memref<1000x64xf32, #tpu.memory_space<vmem_shared>> -> memref<1000x64xf32, #tpu.memory_space<vmem_shared>>
      tpu.enqueue_indirect_dma source(%dma_start3A_327 : memref<1000x64xf32, #tpu.memory_space<vmem_shared>>) target(%dma_start3A_323 : memref<128x64xf32, #tpu.memory_space<vmem>>) offsets(%dma_start3A_324 : memref<128xi32, #tpu.memory_space<vmem>>) semaphore(%arg13 : memref<!tpu.dma_semaphore, #tpu.memory_space<semaphore_mem>>)
      %ge3A_328 = arith.constant 1 : i32
      %ge3A_329 = arith.cmpi sge, %add3A_311, %ge3A_328 : i32
      %convert_element_type3A_330 = arith.extui %ge3A_329 : i1 to i32
      %cond3A_331 = arith.constant 0 : i32
      %cond3A_332 = arith.cmpi ne, %convert_element_type3A_330, %cond3A_331 : i32
      scf.if %cond3A_332 {
        %sub3A = arith.constant 1 : i32
        %sub3A_433 = arith.subi %add3A_311, %sub3A : i32
        %mul3A_434 = arith.constant 128 : i32
        %mul3A_435 = arith.muli %sub3A_433, %mul3A_434 : i32
        %dma_wait3A_436 = arith.constant 4 : i32
        %dma_wait3A_437 = arith.constant 0 : i32
        %dma_wait3A_438 = arith.constant 0 : i32
        %dma_wait3A_439 = tpu.memref_slice %arg7[%dma_wait3A_436, %dma_wait3A_437, %dma_wait3A_438] : memref<10x128x64xf32, #tpu.memory_space<vmem>> -> memref<1x128x64xf32, #tpu.memory_space<vmem>>
        %dma_wait3A_440 = tpu.memref_squeeze %dma_wait3A_439 : memref<1x128x64xf32, #tpu.memory_space<vmem>> -> memref<128x64xf32, #tpu.memory_space<vmem>>
        %dma_wait3A_441 = tpu.memref_slice %arg6[%mul3A_435] : memref<12800xi32, #tpu.memory_space<vmem>> -> memref<128xi32, #tpu.memory_space<vmem>>
        %dma_wait3A_442 = arith.constant 0 : i32
        %dma_wait3A_443 = arith.constant 0 : i32
        %dma_wait3A_444 = tpu.memref_slice %arg5[%dma_wait3A_442, %dma_wait3A_443] : memref<1000x64xf32, #tpu.memory_space<vmem_shared>> -> memref<1000x64xf32, #tpu.memory_space<vmem_shared>>
        tpu.wait_indirect_dma semaphore(%arg12 : memref<!tpu.dma_semaphore, #tpu.memory_space<semaphore_mem>>) src(%dma_wait3A_444 : memref<1000x64xf32, #tpu.memory_space<vmem_shared>>) dst(%dma_wait3A_440 : memref<128x64xf32, #tpu.memory_space<vmem>>)
        %sub3A_445 = arith.constant 1 : i32
        %sub3A_446 = arith.subi %add3A_311, %sub3A_445 : i32
        %mul3A_447 = arith.constant 128 : i32
        %mul3A_448 = arith.muli %sub3A_446, %mul3A_447 : i32
        %add3A_449 = arith.addi %mul3A_2, %mul3A_448 : i32
        %dma_start3A_450 = arith.constant 4 : i32
        %dma_start3A_451 = arith.constant 0 : i32
        %dma_start3A_452 = arith.constant 0 : i32
        %dma_start3A_453 = tpu.memref_slice %arg7[%dma_start3A_450, %dma_start3A_451, %dma_start3A_452] : memref<10x128x64xf32, #tpu.memory_space<vmem>> -> memref<1x128x64xf32, #tpu.memory_space<vmem>>
        %dma_start3A_454 = tpu.memref_squeeze %dma_start3A_453 : memref<1x128x64xf32, #tpu.memory_space<vmem>> -> memref<128x64xf32, #tpu.memory_space<vmem>>
        %dma_start3A_455 = arith.constant 0 : i32
        %dma_start3A_456 = tpu.memref_slice %arg4[%add3A_449, %dma_start3A_455] : memref<409600x64xf32, #tpu.memory_space<hbm>> -> memref<128x64xf32, #tpu.memory_space<hbm>>
        %dma_start3A_457 = arith.constant 0 : i32
        %dma_start3A_458 = tpu.memref_slice %arg4[%add3A_449, %dma_start3A_457] : memref<409600x64xf32, #tpu.memory_space<hbm>> -> memref<128x64xf32, #tpu.memory_space<hbm>>
        %dma_start3A_459 = arith.constant 0 : i32
        %dma_start3A_460 = arith.constant 0 : i32
        %dma_start3A_461 = tpu.memref_slice %arg7[%dma_start3A_450, %dma_start3A_459, %dma_start3A_460] : memref<10x128x64xf32, #tpu.memory_space<vmem>> -> memref<1x128x64xf32, #tpu.memory_space<vmem>>
        %dma_start3A_462 = tpu.memref_squeeze %dma_start3A_461 : memref<1x128x64xf32, #tpu.memory_space<vmem>> -> memref<128x64xf32, #tpu.memory_space<vmem>>
        tpu.enqueue_dma source(%dma_start3A_462 : memref<128x64xf32, #tpu.memory_space<vmem>>) target(%dma_start3A_458 : memref<128x64xf32, #tpu.memory_space<hbm>>) target_semaphore(%arg22 : memref<!tpu.dma_semaphore, #tpu.memory_space<semaphore_mem>>)
      } else {
      }
      %mul3A_333 = arith.constant 10 : i32
      %mul3A_334 = arith.muli %scan3A_183, %mul3A_333 : i32
      %add3A_335 = arith.constant 6 : i32
      %add3A_336 = arith.addi %mul3A_334, %add3A_335 : i32
      %ge3A_337 = arith.constant 10 : i32
      %ge3A_338 = arith.cmpi sge, %add3A_336, %ge3A_337 : i32
      %convert_element_type3A_339 = arith.extui %ge3A_338 : i1 to i32
      %cond3A_340 = arith.constant 0 : i32
      %cond3A_341 = arith.cmpi ne, %convert_element_type3A_339, %cond3A_340 : i32
      scf.if %cond3A_341 {
        %sub3A = arith.constant 10 : i32
        %sub3A_433 = arith.subi %add3A_336, %sub3A : i32
        %mul3A_434 = arith.constant 128 : i32
        %mul3A_435 = arith.muli %sub3A_433, %mul3A_434 : i32
        %add3A_436 = arith.addi %mul3A_2, %mul3A_435 : i32
        %dma_wait3A_437 = arith.constant 6 : i32
        %dma_wait3A_438 = arith.constant 0 : i32
        %dma_wait3A_439 = arith.constant 0 : i32
        %dma_wait3A_440 = tpu.memref_slice %arg7[%dma_wait3A_437, %dma_wait3A_438, %dma_wait3A_439] : memref<10x128x64xf32, #tpu.memory_space<vmem>> -> memref<1x128x64xf32, #tpu.memory_space<vmem>>
        %dma_wait3A_441 = tpu.memref_squeeze %dma_wait3A_440 : memref<1x128x64xf32, #tpu.memory_space<vmem>> -> memref<128x64xf32, #tpu.memory_space<vmem>>
        %dma_wait3A_442 = arith.constant 0 : i32
        %dma_wait3A_443 = tpu.memref_slice %arg4[%add3A_436, %dma_wait3A_442] : memref<409600x64xf32, #tpu.memory_space<hbm>> -> memref<128x64xf32, #tpu.memory_space<hbm>>
        %dma_wait3A_444 = arith.constant 0 : i32
        %dma_wait3A_445 = tpu.memref_slice %arg4[%add3A_436, %dma_wait3A_444] : memref<409600x64xf32, #tpu.memory_space<hbm>> -> memref<128x64xf32, #tpu.memory_space<hbm>>
        %dma_wait3A_446 = arith.constant 0 : i32
        %dma_wait3A_447 = arith.constant 0 : i32
        %dma_wait3A_448 = tpu.memref_slice %arg7[%dma_wait3A_437, %dma_wait3A_446, %dma_wait3A_447] : memref<10x128x64xf32, #tpu.memory_space<vmem>> -> memref<1x128x64xf32, #tpu.memory_space<vmem>>
        %dma_wait3A_449 = tpu.memref_squeeze %dma_wait3A_448 : memref<1x128x64xf32, #tpu.memory_space<vmem>> -> memref<128x64xf32, #tpu.memory_space<vmem>>
        tpu.wait_dma2 semaphore(%arg24 : memref<!tpu.dma_semaphore, #tpu.memory_space<semaphore_mem>>) src(%dma_wait3A_449 : memref<128x64xf32, #tpu.memory_space<vmem>>) dst(%dma_wait3A_445 : memref<128x64xf32, #tpu.memory_space<hbm>>)
      } else {
      }
      %mul3A_342 = arith.constant 128 : i32
      %mul3A_343 = arith.muli %add3A_336, %mul3A_342 : i32
      %dma_start3A_344 = arith.constant 6 : i32
      %dma_start3A_345 = arith.constant 0 : i32
      %dma_start3A_346 = arith.constant 0 : i32
      %dma_start3A_347 = tpu.memref_slice %arg7[%dma_start3A_344, %dma_start3A_345, %dma_start3A_346] : memref<10x128x64xf32, #tpu.memory_space<vmem>> -> memref<1x128x64xf32, #tpu.memory_space<vmem>>
      %dma_start3A_348 = tpu.memref_squeeze %dma_start3A_347 : memref<1x128x64xf32, #tpu.memory_space<vmem>> -> memref<128x64xf32, #tpu.memory_space<vmem>>
      %dma_start3A_349 = tpu.memref_slice %arg6[%mul3A_343] : memref<12800xi32, #tpu.memory_space<vmem>> -> memref<128xi32, #tpu.memory_space<vmem>>
      %dma_start3A_350 = arith.constant 0 : i32
      %dma_start3A_351 = arith.constant 0 : i32
      %dma_start3A_352 = tpu.memref_slice %arg5[%dma_start3A_350, %dma_start3A_351] : memref<1000x64xf32, #tpu.memory_space<vmem_shared>> -> memref<1000x64xf32, #tpu.memory_space<vmem_shared>>
      tpu.enqueue_indirect_dma source(%dma_start3A_352 : memref<1000x64xf32, #tpu.memory_space<vmem_shared>>) target(%dma_start3A_348 : memref<128x64xf32, #tpu.memory_space<vmem>>) offsets(%dma_start3A_349 : memref<128xi32, #tpu.memory_space<vmem>>) semaphore(%arg14 : memref<!tpu.dma_semaphore, #tpu.memory_space<semaphore_mem>>)
      %ge3A_353 = arith.constant 1 : i32
      %ge3A_354 = arith.cmpi sge, %add3A_336, %ge3A_353 : i32
      %convert_element_type3A_355 = arith.extui %ge3A_354 : i1 to i32
      %cond3A_356 = arith.constant 0 : i32
      %cond3A_357 = arith.cmpi ne, %convert_element_type3A_355, %cond3A_356 : i32
      scf.if %cond3A_357 {
        %sub3A = arith.constant 1 : i32
        %sub3A_433 = arith.subi %add3A_336, %sub3A : i32
        %mul3A_434 = arith.constant 128 : i32
        %mul3A_435 = arith.muli %sub3A_433, %mul3A_434 : i32
        %dma_wait3A_436 = arith.constant 5 : i32
        %dma_wait3A_437 = arith.constant 0 : i32
        %dma_wait3A_438 = arith.constant 0 : i32
        %dma_wait3A_439 = tpu.memref_slice %arg7[%dma_wait3A_436, %dma_wait3A_437, %dma_wait3A_438] : memref<10x128x64xf32, #tpu.memory_space<vmem>> -> memref<1x128x64xf32, #tpu.memory_space<vmem>>
        %dma_wait3A_440 = tpu.memref_squeeze %dma_wait3A_439 : memref<1x128x64xf32, #tpu.memory_space<vmem>> -> memref<128x64xf32, #tpu.memory_space<vmem>>
        %dma_wait3A_441 = tpu.memref_slice %arg6[%mul3A_435] : memref<12800xi32, #tpu.memory_space<vmem>> -> memref<128xi32, #tpu.memory_space<vmem>>
        %dma_wait3A_442 = arith.constant 0 : i32
        %dma_wait3A_443 = arith.constant 0 : i32
        %dma_wait3A_444 = tpu.memref_slice %arg5[%dma_wait3A_442, %dma_wait3A_443] : memref<1000x64xf32, #tpu.memory_space<vmem_shared>> -> memref<1000x64xf32, #tpu.memory_space<vmem_shared>>
        tpu.wait_indirect_dma semaphore(%arg13 : memref<!tpu.dma_semaphore, #tpu.memory_space<semaphore_mem>>) src(%dma_wait3A_444 : memref<1000x64xf32, #tpu.memory_space<vmem_shared>>) dst(%dma_wait3A_440 : memref<128x64xf32, #tpu.memory_space<vmem>>)
        %sub3A_445 = arith.constant 1 : i32
        %sub3A_446 = arith.subi %add3A_336, %sub3A_445 : i32
        %mul3A_447 = arith.constant 128 : i32
        %mul3A_448 = arith.muli %sub3A_446, %mul3A_447 : i32
        %add3A_449 = arith.addi %mul3A_2, %mul3A_448 : i32
        %dma_start3A_450 = arith.constant 5 : i32
        %dma_start3A_451 = arith.constant 0 : i32
        %dma_start3A_452 = arith.constant 0 : i32
        %dma_start3A_453 = tpu.memref_slice %arg7[%dma_start3A_450, %dma_start3A_451, %dma_start3A_452] : memref<10x128x64xf32, #tpu.memory_space<vmem>> -> memref<1x128x64xf32, #tpu.memory_space<vmem>>
        %dma_start3A_454 = tpu.memref_squeeze %dma_start3A_453 : memref<1x128x64xf32, #tpu.memory_space<vmem>> -> memref<128x64xf32, #tpu.memory_space<vmem>>
        %dma_start3A_455 = arith.constant 0 : i32
        %dma_start3A_456 = tpu.memref_slice %arg4[%add3A_449, %dma_start3A_455] : memref<409600x64xf32, #tpu.memory_space<hbm>> -> memref<128x64xf32, #tpu.memory_space<hbm>>
        %dma_start3A_457 = arith.constant 0 : i32
        %dma_start3A_458 = tpu.memref_slice %arg4[%add3A_449, %dma_start3A_457] : memref<409600x64xf32, #tpu.memory_space<hbm>> -> memref<128x64xf32, #tpu.memory_space<hbm>>
        %dma_start3A_459 = arith.constant 0 : i32
        %dma_start3A_460 = arith.constant 0 : i32
        %dma_start3A_461 = tpu.memref_slice %arg7[%dma_start3A_450, %dma_start3A_459, %dma_start3A_460] : memref<10x128x64xf32, #tpu.memory_space<vmem>> -> memref<1x128x64xf32, #tpu.memory_space<vmem>>
        %dma_start3A_462 = tpu.memref_squeeze %dma_start3A_461 : memref<1x128x64xf32, #tpu.memory_space<vmem>> -> memref<128x64xf32, #tpu.memory_space<vmem>>
        tpu.enqueue_dma source(%dma_start3A_462 : memref<128x64xf32, #tpu.memory_space<vmem>>) target(%dma_start3A_458 : memref<128x64xf32, #tpu.memory_space<hbm>>) target_semaphore(%arg23 : memref<!tpu.dma_semaphore, #tpu.memory_space<semaphore_mem>>)
      } else {
      }
      %mul3A_358 = arith.constant 10 : i32
      %mul3A_359 = arith.muli %scan3A_183, %mul3A_358 : i32
      %add3A_360 = arith.constant 7 : i32
      %add3A_361 = arith.addi %mul3A_359, %add3A_360 : i32
      %ge3A_362 = arith.constant 10 : i32
      %ge3A_363 = arith.cmpi sge, %add3A_361, %ge3A_362 : i32
      %convert_element_type3A_364 = arith.extui %ge3A_363 : i1 to i32
      %cond3A_365 = arith.constant 0 : i32
      %cond3A_366 = arith.cmpi ne, %convert_element_type3A_364, %cond3A_365 : i32
      scf.if %cond3A_366 {
        %sub3A = arith.constant 10 : i32
        %sub3A_433 = arith.subi %add3A_361, %sub3A : i32
        %mul3A_434 = arith.constant 128 : i32
        %mul3A_435 = arith.muli %sub3A_433, %mul3A_434 : i32
        %add3A_436 = arith.addi %mul3A_2, %mul3A_435 : i32
        %dma_wait3A_437 = arith.constant 7 : i32
        %dma_wait3A_438 = arith.constant 0 : i32
        %dma_wait3A_439 = arith.constant 0 : i32
        %dma_wait3A_440 = tpu.memref_slice %arg7[%dma_wait3A_437, %dma_wait3A_438, %dma_wait3A_439] : memref<10x128x64xf32, #tpu.memory_space<vmem>> -> memref<1x128x64xf32, #tpu.memory_space<vmem>>
        %dma_wait3A_441 = tpu.memref_squeeze %dma_wait3A_440 : memref<1x128x64xf32, #tpu.memory_space<vmem>> -> memref<128x64xf32, #tpu.memory_space<vmem>>
        %dma_wait3A_442 = arith.constant 0 : i32
        %dma_wait3A_443 = tpu.memref_slice %arg4[%add3A_436, %dma_wait3A_442] : memref<409600x64xf32, #tpu.memory_space<hbm>> -> memref<128x64xf32, #tpu.memory_space<hbm>>
        %dma_wait3A_444 = arith.constant 0 : i32
        %dma_wait3A_445 = tpu.memref_slice %arg4[%add3A_436, %dma_wait3A_444] : memref<409600x64xf32, #tpu.memory_space<hbm>> -> memref<128x64xf32, #tpu.memory_space<hbm>>
        %dma_wait3A_446 = arith.constant 0 : i32
        %dma_wait3A_447 = arith.constant 0 : i32
        %dma_wait3A_448 = tpu.memref_slice %arg7[%dma_wait3A_437, %dma_wait3A_446, %dma_wait3A_447] : memref<10x128x64xf32, #tpu.memory_space<vmem>> -> memref<1x128x64xf32, #tpu.memory_space<vmem>>
        %dma_wait3A_449 = tpu.memref_squeeze %dma_wait3A_448 : memref<1x128x64xf32, #tpu.memory_space<vmem>> -> memref<128x64xf32, #tpu.memory_space<vmem>>
        tpu.wait_dma2 semaphore(%arg25 : memref<!tpu.dma_semaphore, #tpu.memory_space<semaphore_mem>>) src(%dma_wait3A_449 : memref<128x64xf32, #tpu.memory_space<vmem>>) dst(%dma_wait3A_445 : memref<128x64xf32, #tpu.memory_space<hbm>>)
      } else {
      }
      %mul3A_367 = arith.constant 128 : i32
      %mul3A_368 = arith.muli %add3A_361, %mul3A_367 : i32
      %dma_start3A_369 = arith.constant 7 : i32
      %dma_start3A_370 = arith.constant 0 : i32
      %dma_start3A_371 = arith.constant 0 : i32
      %dma_start3A_372 = tpu.memref_slice %arg7[%dma_start3A_369, %dma_start3A_370, %dma_start3A_371] : memref<10x128x64xf32, #tpu.memory_space<vmem>> -> memref<1x128x64xf32, #tpu.memory_space<vmem>>
      %dma_start3A_373 = tpu.memref_squeeze %dma_start3A_372 : memref<1x128x64xf32, #tpu.memory_space<vmem>> -> memref<128x64xf32, #tpu.memory_space<vmem>>
      %dma_start3A_374 = tpu.memref_slice %arg6[%mul3A_368] : memref<12800xi32, #tpu.memory_space<vmem>> -> memref<128xi32, #tpu.memory_space<vmem>>
      %dma_start3A_375 = arith.constant 0 : i32
      %dma_start3A_376 = arith.constant 0 : i32
      %dma_start3A_377 = tpu.memref_slice %arg5[%dma_start3A_375, %dma_start3A_376] : memref<1000x64xf32, #tpu.memory_space<vmem_shared>> -> memref<1000x64xf32, #tpu.memory_space<vmem_shared>>
      tpu.enqueue_indirect_dma source(%dma_start3A_377 : memref<1000x64xf32, #tpu.memory_space<vmem_shared>>) target(%dma_start3A_373 : memref<128x64xf32, #tpu.memory_space<vmem>>) offsets(%dma_start3A_374 : memref<128xi32, #tpu.memory_space<vmem>>) semaphore(%arg15 : memref<!tpu.dma_semaphore, #tpu.memory_space<semaphore_mem>>)
      %ge3A_378 = arith.constant 1 : i32
      %ge3A_379 = arith.cmpi sge, %add3A_361, %ge3A_378 : i32
      %convert_element_type3A_380 = arith.extui %ge3A_379 : i1 to i32
      %cond3A_381 = arith.constant 0 : i32
      %cond3A_382 = arith.cmpi ne, %convert_element_type3A_380, %cond3A_381 : i32
      scf.if %cond3A_382 {
        %sub3A = arith.constant 1 : i32
        %sub3A_433 = arith.subi %add3A_361, %sub3A : i32
        %mul3A_434 = arith.constant 128 : i32
        %mul3A_435 = arith.muli %sub3A_433, %mul3A_434 : i32
        %dma_wait3A_436 = arith.constant 6 : i32
        %dma_wait3A_437 = arith.constant 0 : i32
        %dma_wait3A_438 = arith.constant 0 : i32
        %dma_wait3A_439 = tpu.memref_slice %arg7[%dma_wait3A_436, %dma_wait3A_437, %dma_wait3A_438] : memref<10x128x64xf32, #tpu.memory_space<vmem>> -> memref<1x128x64xf32, #tpu.memory_space<vmem>>
        %dma_wait3A_440 = tpu.memref_squeeze %dma_wait3A_439 : memref<1x128x64xf32, #tpu.memory_space<vmem>> -> memref<128x64xf32, #tpu.memory_space<vmem>>
        %dma_wait3A_441 = tpu.memref_slice %arg6[%mul3A_435] : memref<12800xi32, #tpu.memory_space<vmem>> -> memref<128xi32, #tpu.memory_space<vmem>>
        %dma_wait3A_442 = arith.constant 0 : i32
        %dma_wait3A_443 = arith.constant 0 : i32
        %dma_wait3A_444 = tpu.memref_slice %arg5[%dma_wait3A_442, %dma_wait3A_443] : memref<1000x64xf32, #tpu.memory_space<vmem_shared>> -> memref<1000x64xf32, #tpu.memory_space<vmem_shared>>
        tpu.wait_indirect_dma semaphore(%arg14 : memref<!tpu.dma_semaphore, #tpu.memory_space<semaphore_mem>>) src(%dma_wait3A_444 : memref<1000x64xf32, #tpu.memory_space<vmem_shared>>) dst(%dma_wait3A_440 : memref<128x64xf32, #tpu.memory_space<vmem>>)
        %sub3A_445 = arith.constant 1 : i32
        %sub3A_446 = arith.subi %add3A_361, %sub3A_445 : i32
        %mul3A_447 = arith.constant 128 : i32
        %mul3A_448 = arith.muli %sub3A_446, %mul3A_447 : i32
        %add3A_449 = arith.addi %mul3A_2, %mul3A_448 : i32
        %dma_start3A_450 = arith.constant 6 : i32
        %dma_start3A_451 = arith.constant 0 : i32
        %dma_start3A_452 = arith.constant 0 : i32
        %dma_start3A_453 = tpu.memref_slice %arg7[%dma_start3A_450, %dma_start3A_451, %dma_start3A_452] : memref<10x128x64xf32, #tpu.memory_space<vmem>> -> memref<1x128x64xf32, #tpu.memory_space<vmem>>
        %dma_start3A_454 = tpu.memref_squeeze %dma_start3A_453 : memref<1x128x64xf32, #tpu.memory_space<vmem>> -> memref<128x64xf32, #tpu.memory_space<vmem>>
        %dma_start3A_455 = arith.constant 0 : i32
        %dma_start3A_456 = tpu.memref_slice %arg4[%add3A_449, %dma_start3A_455] : memref<409600x64xf32, #tpu.memory_space<hbm>> -> memref<128x64xf32, #tpu.memory_space<hbm>>
        %dma_start3A_457 = arith.constant 0 : i32
        %dma_start3A_458 = tpu.memref_slice %arg4[%add3A_449, %dma_start3A_457] : memref<409600x64xf32, #tpu.memory_space<hbm>> -> memref<128x64xf32, #tpu.memory_space<hbm>>
        %dma_start3A_459 = arith.constant 0 : i32
        %dma_start3A_460 = arith.constant 0 : i32
        %dma_start3A_461 = tpu.memref_slice %arg7[%dma_start3A_450, %dma_start3A_459, %dma_start3A_460] : memref<10x128x64xf32, #tpu.memory_space<vmem>> -> memref<1x128x64xf32, #tpu.memory_space<vmem>>
        %dma_start3A_462 = tpu.memref_squeeze %dma_start3A_461 : memref<1x128x64xf32, #tpu.memory_space<vmem>> -> memref<128x64xf32, #tpu.memory_space<vmem>>
        tpu.enqueue_dma source(%dma_start3A_462 : memref<128x64xf32, #tpu.memory_space<vmem>>) target(%dma_start3A_458 : memref<128x64xf32, #tpu.memory_space<hbm>>) target_semaphore(%arg24 : memref<!tpu.dma_semaphore, #tpu.memory_space<semaphore_mem>>)
      } else {
      }
      %mul3A_383 = arith.constant 10 : i32
      %mul3A_384 = arith.muli %scan3A_183, %mul3A_383 : i32
      %add3A_385 = arith.constant 8 : i32
      %add3A_386 = arith.addi %mul3A_384, %add3A_385 : i32
      %ge3A_387 = arith.constant 10 : i32
      %ge3A_388 = arith.cmpi sge, %add3A_386, %ge3A_387 : i32
      %convert_element_type3A_389 = arith.extui %ge3A_388 : i1 to i32
      %cond3A_390 = arith.constant 0 : i32
      %cond3A_391 = arith.cmpi ne, %convert_element_type3A_389, %cond3A_390 : i32
      scf.if %cond3A_391 {
        %sub3A = arith.constant 10 : i32
        %sub3A_433 = arith.subi %add3A_386, %sub3A : i32
        %mul3A_434 = arith.constant 128 : i32
        %mul3A_435 = arith.muli %sub3A_433, %mul3A_434 : i32
        %add3A_436 = arith.addi %mul3A_2, %mul3A_435 : i32
        %dma_wait3A_437 = arith.constant 8 : i32
        %dma_wait3A_438 = arith.constant 0 : i32
        %dma_wait3A_439 = arith.constant 0 : i32
        %dma_wait3A_440 = tpu.memref_slice %arg7[%dma_wait3A_437, %dma_wait3A_438, %dma_wait3A_439] : memref<10x128x64xf32, #tpu.memory_space<vmem>> -> memref<1x128x64xf32, #tpu.memory_space<vmem>>
        %dma_wait3A_441 = tpu.memref_squeeze %dma_wait3A_440 : memref<1x128x64xf32, #tpu.memory_space<vmem>> -> memref<128x64xf32, #tpu.memory_space<vmem>>
        %dma_wait3A_442 = arith.constant 0 : i32
        %dma_wait3A_443 = tpu.memref_slice %arg4[%add3A_436, %dma_wait3A_442] : memref<409600x64xf32, #tpu.memory_space<hbm>> -> memref<128x64xf32, #tpu.memory_space<hbm>>
        %dma_wait3A_444 = arith.constant 0 : i32
        %dma_wait3A_445 = tpu.memref_slice %arg4[%add3A_436, %dma_wait3A_444] : memref<409600x64xf32, #tpu.memory_space<hbm>> -> memref<128x64xf32, #tpu.memory_space<hbm>>
        %dma_wait3A_446 = arith.constant 0 : i32
        %dma_wait3A_447 = arith.constant 0 : i32
        %dma_wait3A_448 = tpu.memref_slice %arg7[%dma_wait3A_437, %dma_wait3A_446, %dma_wait3A_447] : memref<10x128x64xf32, #tpu.memory_space<vmem>> -> memref<1x128x64xf32, #tpu.memory_space<vmem>>
        %dma_wait3A_449 = tpu.memref_squeeze %dma_wait3A_448 : memref<1x128x64xf32, #tpu.memory_space<vmem>> -> memref<128x64xf32, #tpu.memory_space<vmem>>
        tpu.wait_dma2 semaphore(%arg26 : memref<!tpu.dma_semaphore, #tpu.memory_space<semaphore_mem>>) src(%dma_wait3A_449 : memref<128x64xf32, #tpu.memory_space<vmem>>) dst(%dma_wait3A_445 : memref<128x64xf32, #tpu.memory_space<hbm>>)
      } else {
      }
      %mul3A_392 = arith.constant 128 : i32
      %mul3A_393 = arith.muli %add3A_386, %mul3A_392 : i32
      %dma_start3A_394 = arith.constant 8 : i32
      %dma_start3A_395 = arith.constant 0 : i32
      %dma_start3A_396 = arith.constant 0 : i32
      %dma_start3A_397 = tpu.memref_slice %arg7[%dma_start3A_394, %dma_start3A_395, %dma_start3A_396] : memref<10x128x64xf32, #tpu.memory_space<vmem>> -> memref<1x128x64xf32, #tpu.memory_space<vmem>>
      %dma_start3A_398 = tpu.memref_squeeze %dma_start3A_397 : memref<1x128x64xf32, #tpu.memory_space<vmem>> -> memref<128x64xf32, #tpu.memory_space<vmem>>
      %dma_start3A_399 = tpu.memref_slice %arg6[%mul3A_393] : memref<12800xi32, #tpu.memory_space<vmem>> -> memref<128xi32, #tpu.memory_space<vmem>>
      %dma_start3A_400 = arith.constant 0 : i32
      %dma_start3A_401 = arith.constant 0 : i32
      %dma_start3A_402 = tpu.memref_slice %arg5[%dma_start3A_400, %dma_start3A_401] : memref<1000x64xf32, #tpu.memory_space<vmem_shared>> -> memref<1000x64xf32, #tpu.memory_space<vmem_shared>>
      tpu.enqueue_indirect_dma source(%dma_start3A_402 : memref<1000x64xf32, #tpu.memory_space<vmem_shared>>) target(%dma_start3A_398 : memref<128x64xf32, #tpu.memory_space<vmem>>) offsets(%dma_start3A_399 : memref<128xi32, #tpu.memory_space<vmem>>) semaphore(%arg16 : memref<!tpu.dma_semaphore, #tpu.memory_space<semaphore_mem>>)
      %ge3A_403 = arith.constant 1 : i32
      %ge3A_404 = arith.cmpi sge, %add3A_386, %ge3A_403 : i32
      %convert_element_type3A_405 = arith.extui %ge3A_404 : i1 to i32
      %cond3A_406 = arith.constant 0 : i32
      %cond3A_407 = arith.cmpi ne, %convert_element_type3A_405, %cond3A_406 : i32
      scf.if %cond3A_407 {
        %sub3A = arith.constant 1 : i32
        %sub3A_433 = arith.subi %add3A_386, %sub3A : i32
        %mul3A_434 = arith.constant 128 : i32
        %mul3A_435 = arith.muli %sub3A_433, %mul3A_434 : i32
        %dma_wait3A_436 = arith.constant 7 : i32
        %dma_wait3A_437 = arith.constant 0 : i32
        %dma_wait3A_438 = arith.constant 0 : i32
        %dma_wait3A_439 = tpu.memref_slice %arg7[%dma_wait3A_436, %dma_wait3A_437, %dma_wait3A_438] : memref<10x128x64xf32, #tpu.memory_space<vmem>> -> memref<1x128x64xf32, #tpu.memory_space<vmem>>
        %dma_wait3A_440 = tpu.memref_squeeze %dma_wait3A_439 : memref<1x128x64xf32, #tpu.memory_space<vmem>> -> memref<128x64xf32, #tpu.memory_space<vmem>>
        %dma_wait3A_441 = tpu.memref_slice %arg6[%mul3A_435] : memref<12800xi32, #tpu.memory_space<vmem>> -> memref<128xi32, #tpu.memory_space<vmem>>
        %dma_wait3A_442 = arith.constant 0 : i32
        %dma_wait3A_443 = arith.constant 0 : i32
        %dma_wait3A_444 = tpu.memref_slice %arg5[%dma_wait3A_442, %dma_wait3A_443] : memref<1000x64xf32, #tpu.memory_space<vmem_shared>> -> memref<1000x64xf32, #tpu.memory_space<vmem_shared>>
        tpu.wait_indirect_dma semaphore(%arg15 : memref<!tpu.dma_semaphore, #tpu.memory_space<semaphore_mem>>) src(%dma_wait3A_444 : memref<1000x64xf32, #tpu.memory_space<vmem_shared>>) dst(%dma_wait3A_440 : memref<128x64xf32, #tpu.memory_space<vmem>>)
        %sub3A_445 = arith.constant 1 : i32
        %sub3A_446 = arith.subi %add3A_386, %sub3A_445 : i32
        %mul3A_447 = arith.constant 128 : i32
        %mul3A_448 = arith.muli %sub3A_446, %mul3A_447 : i32
        %add3A_449 = arith.addi %mul3A_2, %mul3A_448 : i32
        %dma_start3A_450 = arith.constant 7 : i32
        %dma_start3A_451 = arith.constant 0 : i32
        %dma_start3A_452 = arith.constant 0 : i32
        %dma_start3A_453 = tpu.memref_slice %arg7[%dma_start3A_450, %dma_start3A_451, %dma_start3A_452] : memref<10x128x64xf32, #tpu.memory_space<vmem>> -> memref<1x128x64xf32, #tpu.memory_space<vmem>>
        %dma_start3A_454 = tpu.memref_squeeze %dma_start3A_453 : memref<1x128x64xf32, #tpu.memory_space<vmem>> -> memref<128x64xf32, #tpu.memory_space<vmem>>
        %dma_start3A_455 = arith.constant 0 : i32
        %dma_start3A_456 = tpu.memref_slice %arg4[%add3A_449, %dma_start3A_455] : memref<409600x64xf32, #tpu.memory_space<hbm>> -> memref<128x64xf32, #tpu.memory_space<hbm>>
        %dma_start3A_457 = arith.constant 0 : i32
        %dma_start3A_458 = tpu.memref_slice %arg4[%add3A_449, %dma_start3A_457] : memref<409600x64xf32, #tpu.memory_space<hbm>> -> memref<128x64xf32, #tpu.memory_space<hbm>>
        %dma_start3A_459 = arith.constant 0 : i32
        %dma_start3A_460 = arith.constant 0 : i32
        %dma_start3A_461 = tpu.memref_slice %arg7[%dma_start3A_450, %dma_start3A_459, %dma_start3A_460] : memref<10x128x64xf32, #tpu.memory_space<vmem>> -> memref<1x128x64xf32, #tpu.memory_space<vmem>>
        %dma_start3A_462 = tpu.memref_squeeze %dma_start3A_461 : memref<1x128x64xf32, #tpu.memory_space<vmem>> -> memref<128x64xf32, #tpu.memory_space<vmem>>
        tpu.enqueue_dma source(%dma_start3A_462 : memref<128x64xf32, #tpu.memory_space<vmem>>) target(%dma_start3A_458 : memref<128x64xf32, #tpu.memory_space<hbm>>) target_semaphore(%arg25 : memref<!tpu.dma_semaphore, #tpu.memory_space<semaphore_mem>>)
      } else {
      }
      %mul3A_408 = arith.constant 10 : i32
      %mul3A_409 = arith.muli %scan3A_183, %mul3A_408 : i32
      %add3A_410 = arith.constant 9 : i32
      %add3A_411 = arith.addi %mul3A_409, %add3A_410 : i32
      %ge3A_412 = arith.constant 10 : i32
      %ge3A_413 = arith.cmpi sge, %add3A_411, %ge3A_412 : i32
      %convert_element_type3A_414 = arith.extui %ge3A_413 : i1 to i32
      %cond3A_415 = arith.constant 0 : i32
      %cond3A_416 = arith.cmpi ne, %convert_element_type3A_414, %cond3A_415 : i32
      scf.if %cond3A_416 {
        %sub3A = arith.constant 10 : i32
        %sub3A_433 = arith.subi %add3A_411, %sub3A : i32
        %mul3A_434 = arith.constant 128 : i32
        %mul3A_435 = arith.muli %sub3A_433, %mul3A_434 : i32
        %add3A_436 = arith.addi %mul3A_2, %mul3A_435 : i32
        %dma_wait3A_437 = arith.constant 9 : i32
        %dma_wait3A_438 = arith.constant 0 : i32
        %dma_wait3A_439 = arith.constant 0 : i32
        %dma_wait3A_440 = tpu.memref_slice %arg7[%dma_wait3A_437, %dma_wait3A_438, %dma_wait3A_439] : memref<10x128x64xf32, #tpu.memory_space<vmem>> -> memref<1x128x64xf32, #tpu.memory_space<vmem>>
        %dma_wait3A_441 = tpu.memref_squeeze %dma_wait3A_440 : memref<1x128x64xf32, #tpu.memory_space<vmem>> -> memref<128x64xf32, #tpu.memory_space<vmem>>
        %dma_wait3A_442 = arith.constant 0 : i32
        %dma_wait3A_443 = tpu.memref_slice %arg4[%add3A_436, %dma_wait3A_442] : memref<409600x64xf32, #tpu.memory_space<hbm>> -> memref<128x64xf32, #tpu.memory_space<hbm>>
        %dma_wait3A_444 = arith.constant 0 : i32
        %dma_wait3A_445 = tpu.memref_slice %arg4[%add3A_436, %dma_wait3A_444] : memref<409600x64xf32, #tpu.memory_space<hbm>> -> memref<128x64xf32, #tpu.memory_space<hbm>>
        %dma_wait3A_446 = arith.constant 0 : i32
        %dma_wait3A_447 = arith.constant 0 : i32
        %dma_wait3A_448 = tpu.memref_slice %arg7[%dma_wait3A_437, %dma_wait3A_446, %dma_wait3A_447] : memref<10x128x64xf32, #tpu.memory_space<vmem>> -> memref<1x128x64xf32, #tpu.memory_space<vmem>>
        %dma_wait3A_449 = tpu.memref_squeeze %dma_wait3A_448 : memref<1x128x64xf32, #tpu.memory_space<vmem>> -> memref<128x64xf32, #tpu.memory_space<vmem>>
        tpu.wait_dma2 semaphore(%arg27 : memref<!tpu.dma_semaphore, #tpu.memory_space<semaphore_mem>>) src(%dma_wait3A_449 : memref<128x64xf32, #tpu.memory_space<vmem>>) dst(%dma_wait3A_445 : memref<128x64xf32, #tpu.memory_space<hbm>>)
      } else {
      }
      %mul3A_417 = arith.constant 128 : i32
      %mul3A_418 = arith.muli %add3A_411, %mul3A_417 : i32
      %dma_start3A_419 = arith.constant 9 : i32
      %dma_start3A_420 = arith.constant 0 : i32
      %dma_start3A_421 = arith.constant 0 : i32
      %dma_start3A_422 = tpu.memref_slice %arg7[%dma_start3A_419, %dma_start3A_420, %dma_start3A_421] : memref<10x128x64xf32, #tpu.memory_space<vmem>> -> memref<1x128x64xf32, #tpu.memory_space<vmem>>
      %dma_start3A_423 = tpu.memref_squeeze %dma_start3A_422 : memref<1x128x64xf32, #tpu.memory_space<vmem>> -> memref<128x64xf32, #tpu.memory_space<vmem>>
      %dma_start3A_424 = tpu.memref_slice %arg6[%mul3A_418] : memref<12800xi32, #tpu.memory_space<vmem>> -> memref<128xi32, #tpu.memory_space<vmem>>
      %dma_start3A_425 = arith.constant 0 : i32
      %dma_start3A_426 = arith.constant 0 : i32
      %dma_start3A_427 = tpu.memref_slice %arg5[%dma_start3A_425, %dma_start3A_426] : memref<1000x64xf32, #tpu.memory_space<vmem_shared>> -> memref<1000x64xf32, #tpu.memory_space<vmem_shared>>
      tpu.enqueue_indirect_dma source(%dma_start3A_427 : memref<1000x64xf32, #tpu.memory_space<vmem_shared>>) target(%dma_start3A_423 : memref<128x64xf32, #tpu.memory_space<vmem>>) offsets(%dma_start3A_424 : memref<128xi32, #tpu.memory_space<vmem>>) semaphore(%arg17 : memref<!tpu.dma_semaphore, #tpu.memory_space<semaphore_mem>>)
      %ge3A_428 = arith.constant 1 : i32
      %ge3A_429 = arith.cmpi sge, %add3A_411, %ge3A_428 : i32
      %convert_element_type3A_430 = arith.extui %ge3A_429 : i1 to i32
      %cond3A_431 = arith.constant 0 : i32
      %cond3A_432 = arith.cmpi ne, %convert_element_type3A_430, %cond3A_431 : i32
      scf.if %cond3A_432 {
        %sub3A = arith.constant 1 : i32
        %sub3A_433 = arith.subi %add3A_411, %sub3A : i32
        %mul3A_434 = arith.constant 128 : i32
        %mul3A_435 = arith.muli %sub3A_433, %mul3A_434 : i32
        %dma_wait3A_436 = arith.constant 8 : i32
        %dma_wait3A_437 = arith.constant 0 : i32
        %dma_wait3A_438 = arith.constant 0 : i32
        %dma_wait3A_439 = tpu.memref_slice %arg7[%dma_wait3A_436, %dma_wait3A_437, %dma_wait3A_438] : memref<10x128x64xf32, #tpu.memory_space<vmem>> -> memref<1x128x64xf32, #tpu.memory_space<vmem>>
        %dma_wait3A_440 = tpu.memref_squeeze %dma_wait3A_439 : memref<1x128x64xf32, #tpu.memory_space<vmem>> -> memref<128x64xf32, #tpu.memory_space<vmem>>
        %dma_wait3A_441 = tpu.memref_slice %arg6[%mul3A_435] : memref<12800xi32, #tpu.memory_space<vmem>> -> memref<128xi32, #tpu.memory_space<vmem>>
        %dma_wait3A_442 = arith.constant 0 : i32
        %dma_wait3A_443 = arith.constant 0 : i32
        %dma_wait3A_444 = tpu.memref_slice %arg5[%dma_wait3A_442, %dma_wait3A_443] : memref<1000x64xf32, #tpu.memory_space<vmem_shared>> -> memref<1000x64xf32, #tpu.memory_space<vmem_shared>>
        tpu.wait_indirect_dma semaphore(%arg16 : memref<!tpu.dma_semaphore, #tpu.memory_space<semaphore_mem>>) src(%dma_wait3A_444 : memref<1000x64xf32, #tpu.memory_space<vmem_shared>>) dst(%dma_wait3A_440 : memref<128x64xf32, #tpu.memory_space<vmem>>)
        %sub3A_445 = arith.constant 1 : i32
        %sub3A_446 = arith.subi %add3A_411, %sub3A_445 : i32
        %mul3A_447 = arith.constant 128 : i32
        %mul3A_448 = arith.muli %sub3A_446, %mul3A_447 : i32
        %add3A_449 = arith.addi %mul3A_2, %mul3A_448 : i32
        %dma_start3A_450 = arith.constant 8 : i32
        %dma_start3A_451 = arith.constant 0 : i32
        %dma_start3A_452 = arith.constant 0 : i32
        %dma_start3A_453 = tpu.memref_slice %arg7[%dma_start3A_450, %dma_start3A_451, %dma_start3A_452] : memref<10x128x64xf32, #tpu.memory_space<vmem>> -> memref<1x128x64xf32, #tpu.memory_space<vmem>>
        %dma_start3A_454 = tpu.memref_squeeze %dma_start3A_453 : memref<1x128x64xf32, #tpu.memory_space<vmem>> -> memref<128x64xf32, #tpu.memory_space<vmem>>
        %dma_start3A_455 = arith.constant 0 : i32
        %dma_start3A_456 = tpu.memref_slice %arg4[%add3A_449, %dma_start3A_455] : memref<409600x64xf32, #tpu.memory_space<hbm>> -> memref<128x64xf32, #tpu.memory_space<hbm>>
        %dma_start3A_457 = arith.constant 0 : i32
        %dma_start3A_458 = tpu.memref_slice %arg4[%add3A_449, %dma_start3A_457] : memref<409600x64xf32, #tpu.memory_space<hbm>> -> memref<128x64xf32, #tpu.memory_space<hbm>>
        %dma_start3A_459 = arith.constant 0 : i32
        %dma_start3A_460 = arith.constant 0 : i32
        %dma_start3A_461 = tpu.memref_slice %arg7[%dma_start3A_450, %dma_start3A_459, %dma_start3A_460] : memref<10x128x64xf32, #tpu.memory_space<vmem>> -> memref<1x128x64xf32, #tpu.memory_space<vmem>>
        %dma_start3A_462 = tpu.memref_squeeze %dma_start3A_461 : memref<1x128x64xf32, #tpu.memory_space<vmem>> -> memref<128x64xf32, #tpu.memory_space<vmem>>
        tpu.enqueue_dma source(%dma_start3A_462 : memref<128x64xf32, #tpu.memory_space<vmem>>) target(%dma_start3A_458 : memref<128x64xf32, #tpu.memory_space<hbm>>) target_semaphore(%arg26 : memref<!tpu.dma_semaphore, #tpu.memory_space<semaphore_mem>>)
      } else {
      }
    }
    %scan3A_9 = arith.constant 10 : i32
    %dma_wait3A = arith.constant 9 : i32
    %dma_wait3A_10 = arith.constant 0 : i32
    %dma_wait3A_11 = arith.constant 0 : i32
    %dma_wait3A_12 = tpu.memref_slice %arg7[%dma_wait3A, %dma_wait3A_10, %dma_wait3A_11] : memref<10x128x64xf32, #tpu.memory_space<vmem>> -> memref<1x128x64xf32, #tpu.memory_space<vmem>>
    %dma_wait3A_13 = tpu.memref_squeeze %dma_wait3A_12 : memref<1x128x64xf32, #tpu.memory_space<vmem>> -> memref<128x64xf32, #tpu.memory_space<vmem>>
    %dma_wait3A_14 = arith.constant 12672 : i32
    %dma_wait3A_15 = tpu.memref_slice %arg6[%dma_wait3A_14] : memref<12800xi32, #tpu.memory_space<vmem>> -> memref<128xi32, #tpu.memory_space<vmem>>
    %dma_wait3A_16 = arith.constant 0 : i32
    %dma_wait3A_17 = arith.constant 0 : i32
    %dma_wait3A_18 = tpu.memref_slice %arg5[%dma_wait3A_16, %dma_wait3A_17] : memref<1000x64xf32, #tpu.memory_space<vmem_shared>> -> memref<1000x64xf32, #tpu.memory_space<vmem_shared>>
    tpu.wait_indirect_dma semaphore(%arg17 : memref<!tpu.dma_semaphore, #tpu.memory_space<semaphore_mem>>) src(%dma_wait3A_18 : memref<1000x64xf32, #tpu.memory_space<vmem_shared>>) dst(%dma_wait3A_13 : memref<128x64xf32, #tpu.memory_space<vmem>>)
    %add3A_19 = arith.constant 12672 : i32
    %add3A_20 = arith.addi %mul3A_2, %add3A_19 : i32
    %dma_start3A = arith.constant 9 : i32
    %dma_start3A_21 = arith.constant 0 : i32
    %dma_start3A_22 = arith.constant 0 : i32
    %dma_start3A_23 = tpu.memref_slice %arg7[%dma_start3A, %dma_start3A_21, %dma_start3A_22] : memref<10x128x64xf32, #tpu.memory_space<vmem>> -> memref<1x128x64xf32, #tpu.memory_space<vmem>>
    %dma_start3A_24 = tpu.memref_squeeze %dma_start3A_23 : memref<1x128x64xf32, #tpu.memory_space<vmem>> -> memref<128x64xf32, #tpu.memory_space<vmem>>
    %dma_start3A_25 = arith.constant 0 : i32
    %dma_start3A_26 = tpu.memref_slice %arg4[%add3A_20, %dma_start3A_25] : memref<409600x64xf32, #tpu.memory_space<hbm>> -> memref<128x64xf32, #tpu.memory_space<hbm>>
    %dma_start3A_27 = arith.constant 0 : i32
    %dma_start3A_28 = tpu.memref_slice %arg4[%add3A_20, %dma_start3A_27] : memref<409600x64xf32, #tpu.memory_space<hbm>> -> memref<128x64xf32, #tpu.memory_space<hbm>>
    %dma_start3A_29 = arith.constant 0 : i32
    %dma_start3A_30 = arith.constant 0 : i32
    %dma_start3A_31 = tpu.memref_slice %arg7[%dma_start3A, %dma_start3A_29, %dma_start3A_30] : memref<10x128x64xf32, #tpu.memory_space<vmem>> -> memref<1x128x64xf32, #tpu.memory_space<vmem>>
    %dma_start3A_32 = tpu.memref_squeeze %dma_start3A_31 : memref<1x128x64xf32, #tpu.memory_space<vmem>> -> memref<128x64xf32, #tpu.memory_space<vmem>>
    tpu.enqueue_dma source(%dma_start3A_32 : memref<128x64xf32, #tpu.memory_space<vmem>>) target(%dma_start3A_28 : memref<128x64xf32, #tpu.memory_space<hbm>>) target_semaphore(%arg27 : memref<!tpu.dma_semaphore, #tpu.memory_space<semaphore_mem>>)
    %add3A_33 = arith.constant 11520 : i32
    %add3A_34 = arith.addi %mul3A_2, %add3A_33 : i32
    %dma_wait3A_35 = arith.constant 0 : i32
    %dma_wait3A_36 = arith.constant 0 : i32
    %dma_wait3A_37 = arith.constant 0 : i32
    %dma_wait3A_38 = tpu.memref_slice %arg7[%dma_wait3A_35, %dma_wait3A_36, %dma_wait3A_37] : memref<10x128x64xf32, #tpu.memory_space<vmem>> -> memref<1x128x64xf32, #tpu.memory_space<vmem>>
    %dma_wait3A_39 = tpu.memref_squeeze %dma_wait3A_38 : memref<1x128x64xf32, #tpu.memory_space<vmem>> -> memref<128x64xf32, #tpu.memory_space<vmem>>
    %dma_wait3A_40 = arith.constant 0 : i32
    %dma_wait3A_41 = tpu.memref_slice %arg4[%add3A_34, %dma_wait3A_40] : memref<409600x64xf32, #tpu.memory_space<hbm>> -> memref<128x64xf32, #tpu.memory_space<hbm>>
    %dma_wait3A_42 = arith.constant 0 : i32
    %dma_wait3A_43 = tpu.memref_slice %arg4[%add3A_34, %dma_wait3A_42] : memref<409600x64xf32, #tpu.memory_space<hbm>> -> memref<128x64xf32, #tpu.memory_space<hbm>>
    %dma_wait3A_44 = arith.constant 0 : i32
    %dma_wait3A_45 = arith.constant 0 : i32
    %dma_wait3A_46 = tpu.memref_slice %arg7[%dma_wait3A_35, %dma_wait3A_44, %dma_wait3A_45] : memref<10x128x64xf32, #tpu.memory_space<vmem>> -> memref<1x128x64xf32, #tpu.memory_space<vmem>>
    %dma_wait3A_47 = tpu.memref_squeeze %dma_wait3A_46 : memref<1x128x64xf32, #tpu.memory_space<vmem>> -> memref<128x64xf32, #tpu.memory_space<vmem>>
    tpu.wait_dma2 semaphore(%arg18 : memref<!tpu.dma_semaphore, #tpu.memory_space<semaphore_mem>>) src(%dma_wait3A_47 : memref<128x64xf32, #tpu.memory_space<vmem>>) dst(%dma_wait3A_43 : memref<128x64xf32, #tpu.memory_space<hbm>>)
    %add3A_48 = arith.constant 11648 : i32
    %add3A_49 = arith.addi %mul3A_2, %add3A_48 : i32
    %dma_wait3A_50 = arith.constant 1 : i32
    %dma_wait3A_51 = arith.constant 0 : i32
    %dma_wait3A_52 = arith.constant 0 : i32
    %dma_wait3A_53 = tpu.memref_slice %arg7[%dma_wait3A_50, %dma_wait3A_51, %dma_wait3A_52] : memref<10x128x64xf32, #tpu.memory_space<vmem>> -> memref<1x128x64xf32, #tpu.memory_space<vmem>>
    %dma_wait3A_54 = tpu.memref_squeeze %dma_wait3A_53 : memref<1x128x64xf32, #tpu.memory_space<vmem>> -> memref<128x64xf32, #tpu.memory_space<vmem>>
    %dma_wait3A_55 = arith.constant 0 : i32
    %dma_wait3A_56 = tpu.memref_slice %arg4[%add3A_49, %dma_wait3A_55] : memref<409600x64xf32, #tpu.memory_space<hbm>> -> memref<128x64xf32, #tpu.memory_space<hbm>>
    %dma_wait3A_57 = arith.constant 0 : i32
    %dma_wait3A_58 = tpu.memref_slice %arg4[%add3A_49, %dma_wait3A_57] : memref<409600x64xf32, #tpu.memory_space<hbm>> -> memref<128x64xf32, #tpu.memory_space<hbm>>
    %dma_wait3A_59 = arith.constant 0 : i32
    %dma_wait3A_60 = arith.constant 0 : i32
    %dma_wait3A_61 = tpu.memref_slice %arg7[%dma_wait3A_50, %dma_wait3A_59, %dma_wait3A_60] : memref<10x128x64xf32, #tpu.memory_space<vmem>> -> memref<1x128x64xf32, #tpu.memory_space<vmem>>
    %dma_wait3A_62 = tpu.memref_squeeze %dma_wait3A_61 : memref<1x128x64xf32, #tpu.memory_space<vmem>> -> memref<128x64xf32, #tpu.memory_space<vmem>>
    tpu.wait_dma2 semaphore(%arg19 : memref<!tpu.dma_semaphore, #tpu.memory_space<semaphore_mem>>) src(%dma_wait3A_62 : memref<128x64xf32, #tpu.memory_space<vmem>>) dst(%dma_wait3A_58 : memref<128x64xf32, #tpu.memory_space<hbm>>)
    %add3A_63 = arith.constant 11776 : i32
    %add3A_64 = arith.addi %mul3A_2, %add3A_63 : i32
    %dma_wait3A_65 = arith.constant 2 : i32
    %dma_wait3A_66 = arith.constant 0 : i32
    %dma_wait3A_67 = arith.constant 0 : i32
    %dma_wait3A_68 = tpu.memref_slice %arg7[%dma_wait3A_65, %dma_wait3A_66, %dma_wait3A_67] : memref<10x128x64xf32, #tpu.memory_space<vmem>> -> memref<1x128x64xf32, #tpu.memory_space<vmem>>
    %dma_wait3A_69 = tpu.memref_squeeze %dma_wait3A_68 : memref<1x128x64xf32, #tpu.memory_space<vmem>> -> memref<128x64xf32, #tpu.memory_space<vmem>>
    %dma_wait3A_70 = arith.constant 0 : i32
    %dma_wait3A_71 = tpu.memref_slice %arg4[%add3A_64, %dma_wait3A_70] : memref<409600x64xf32, #tpu.memory_space<hbm>> -> memref<128x64xf32, #tpu.memory_space<hbm>>
    %dma_wait3A_72 = arith.constant 0 : i32
    %dma_wait3A_73 = tpu.memref_slice %arg4[%add3A_64, %dma_wait3A_72] : memref<409600x64xf32, #tpu.memory_space<hbm>> -> memref<128x64xf32, #tpu.memory_space<hbm>>
    %dma_wait3A_74 = arith.constant 0 : i32
    %dma_wait3A_75 = arith.constant 0 : i32
    %dma_wait3A_76 = tpu.memref_slice %arg7[%dma_wait3A_65, %dma_wait3A_74, %dma_wait3A_75] : memref<10x128x64xf32, #tpu.memory_space<vmem>> -> memref<1x128x64xf32, #tpu.memory_space<vmem>>
    %dma_wait3A_77 = tpu.memref_squeeze %dma_wait3A_76 : memref<1x128x64xf32, #tpu.memory_space<vmem>> -> memref<128x64xf32, #tpu.memory_space<vmem>>
    tpu.wait_dma2 semaphore(%arg20 : memref<!tpu.dma_semaphore, #tpu.memory_space<semaphore_mem>>) src(%dma_wait3A_77 : memref<128x64xf32, #tpu.memory_space<vmem>>) dst(%dma_wait3A_73 : memref<128x64xf32, #tpu.memory_space<hbm>>)
    %add3A_78 = arith.constant 11904 : i32
    %add3A_79 = arith.addi %mul3A_2, %add3A_78 : i32
    %dma_wait3A_80 = arith.constant 3 : i32
    %dma_wait3A_81 = arith.constant 0 : i32
    %dma_wait3A_82 = arith.constant 0 : i32
    %dma_wait3A_83 = tpu.memref_slice %arg7[%dma_wait3A_80, %dma_wait3A_81, %dma_wait3A_82] : memref<10x128x64xf32, #tpu.memory_space<vmem>> -> memref<1x128x64xf32, #tpu.memory_space<vmem>>
    %dma_wait3A_84 = tpu.memref_squeeze %dma_wait3A_83 : memref<1x128x64xf32, #tpu.memory_space<vmem>> -> memref<128x64xf32, #tpu.memory_space<vmem>>
    %dma_wait3A_85 = arith.constant 0 : i32
    %dma_wait3A_86 = tpu.memref_slice %arg4[%add3A_79, %dma_wait3A_85] : memref<409600x64xf32, #tpu.memory_space<hbm>> -> memref<128x64xf32, #tpu.memory_space<hbm>>
    %dma_wait3A_87 = arith.constant 0 : i32
    %dma_wait3A_88 = tpu.memref_slice %arg4[%add3A_79, %dma_wait3A_87] : memref<409600x64xf32, #tpu.memory_space<hbm>> -> memref<128x64xf32, #tpu.memory_space<hbm>>
    %dma_wait3A_89 = arith.constant 0 : i32
    %dma_wait3A_90 = arith.constant 0 : i32
    %dma_wait3A_91 = tpu.memref_slice %arg7[%dma_wait3A_80, %dma_wait3A_89, %dma_wait3A_90] : memref<10x128x64xf32, #tpu.memory_space<vmem>> -> memref<1x128x64xf32, #tpu.memory_space<vmem>>
    %dma_wait3A_92 = tpu.memref_squeeze %dma_wait3A_91 : memref<1x128x64xf32, #tpu.memory_space<vmem>> -> memref<128x64xf32, #tpu.memory_space<vmem>>
    tpu.wait_dma2 semaphore(%arg21 : memref<!tpu.dma_semaphore, #tpu.memory_space<semaphore_mem>>) src(%dma_wait3A_92 : memref<128x64xf32, #tpu.memory_space<vmem>>) dst(%dma_wait3A_88 : memref<128x64xf32, #tpu.memory_space<hbm>>)
    %add3A_93 = arith.constant 12032 : i32
    %add3A_94 = arith.addi %mul3A_2, %add3A_93 : i32
    %dma_wait3A_95 = arith.constant 4 : i32
    %dma_wait3A_96 = arith.constant 0 : i32
    %dma_wait3A_97 = arith.constant 0 : i32
    %dma_wait3A_98 = tpu.memref_slice %arg7[%dma_wait3A_95, %dma_wait3A_96, %dma_wait3A_97] : memref<10x128x64xf32, #tpu.memory_space<vmem>> -> memref<1x128x64xf32, #tpu.memory_space<vmem>>
    %dma_wait3A_99 = tpu.memref_squeeze %dma_wait3A_98 : memref<1x128x64xf32, #tpu.memory_space<vmem>> -> memref<128x64xf32, #tpu.memory_space<vmem>>
    %dma_wait3A_100 = arith.constant 0 : i32
    %dma_wait3A_101 = tpu.memref_slice %arg4[%add3A_94, %dma_wait3A_100] : memref<409600x64xf32, #tpu.memory_space<hbm>> -> memref<128x64xf32, #tpu.memory_space<hbm>>
    %dma_wait3A_102 = arith.constant 0 : i32
    %dma_wait3A_103 = tpu.memref_slice %arg4[%add3A_94, %dma_wait3A_102] : memref<409600x64xf32, #tpu.memory_space<hbm>> -> memref<128x64xf32, #tpu.memory_space<hbm>>
    %dma_wait3A_104 = arith.constant 0 : i32
    %dma_wait3A_105 = arith.constant 0 : i32
    %dma_wait3A_106 = tpu.memref_slice %arg7[%dma_wait3A_95, %dma_wait3A_104, %dma_wait3A_105] : memref<10x128x64xf32, #tpu.memory_space<vmem>> -> memref<1x128x64xf32, #tpu.memory_space<vmem>>
    %dma_wait3A_107 = tpu.memref_squeeze %dma_wait3A_106 : memref<1x128x64xf32, #tpu.memory_space<vmem>> -> memref<128x64xf32, #tpu.memory_space<vmem>>
    tpu.wait_dma2 semaphore(%arg22 : memref<!tpu.dma_semaphore, #tpu.memory_space<semaphore_mem>>) src(%dma_wait3A_107 : memref<128x64xf32, #tpu.memory_space<vmem>>) dst(%dma_wait3A_103 : memref<128x64xf32, #tpu.memory_space<hbm>>)
    %add3A_108 = arith.constant 12160 : i32
    %add3A_109 = arith.addi %mul3A_2, %add3A_108 : i32
    %dma_wait3A_110 = arith.constant 5 : i32
    %dma_wait3A_111 = arith.constant 0 : i32
    %dma_wait3A_112 = arith.constant 0 : i32
    %dma_wait3A_113 = tpu.memref_slice %arg7[%dma_wait3A_110, %dma_wait3A_111, %dma_wait3A_112] : memref<10x128x64xf32, #tpu.memory_space<vmem>> -> memref<1x128x64xf32, #tpu.memory_space<vmem>>
    %dma_wait3A_114 = tpu.memref_squeeze %dma_wait3A_113 : memref<1x128x64xf32, #tpu.memory_space<vmem>> -> memref<128x64xf32, #tpu.memory_space<vmem>>
    %dma_wait3A_115 = arith.constant 0 : i32
    %dma_wait3A_116 = tpu.memref_slice %arg4[%add3A_109, %dma_wait3A_115] : memref<409600x64xf32, #tpu.memory_space<hbm>> -> memref<128x64xf32, #tpu.memory_space<hbm>>
    %dma_wait3A_117 = arith.constant 0 : i32
    %dma_wait3A_118 = tpu.memref_slice %arg4[%add3A_109, %dma_wait3A_117] : memref<409600x64xf32, #tpu.memory_space<hbm>> -> memref<128x64xf32, #tpu.memory_space<hbm>>
    %dma_wait3A_119 = arith.constant 0 : i32
    %dma_wait3A_120 = arith.constant 0 : i32
    %dma_wait3A_121 = tpu.memref_slice %arg7[%dma_wait3A_110, %dma_wait3A_119, %dma_wait3A_120] : memref<10x128x64xf32, #tpu.memory_space<vmem>> -> memref<1x128x64xf32, #tpu.memory_space<vmem>>
    %dma_wait3A_122 = tpu.memref_squeeze %dma_wait3A_121 : memref<1x128x64xf32, #tpu.memory_space<vmem>> -> memref<128x64xf32, #tpu.memory_space<vmem>>
    tpu.wait_dma2 semaphore(%arg23 : memref<!tpu.dma_semaphore, #tpu.memory_space<semaphore_mem>>) src(%dma_wait3A_122 : memref<128x64xf32, #tpu.memory_space<vmem>>) dst(%dma_wait3A_118 : memref<128x64xf32, #tpu.memory_space<hbm>>)
    %add3A_123 = arith.constant 12288 : i32
    %add3A_124 = arith.addi %mul3A_2, %add3A_123 : i32
    %dma_wait3A_125 = arith.constant 6 : i32
    %dma_wait3A_126 = arith.constant 0 : i32
    %dma_wait3A_127 = arith.constant 0 : i32
    %dma_wait3A_128 = tpu.memref_slice %arg7[%dma_wait3A_125, %dma_wait3A_126, %dma_wait3A_127] : memref<10x128x64xf32, #tpu.memory_space<vmem>> -> memref<1x128x64xf32, #tpu.memory_space<vmem>>
    %dma_wait3A_129 = tpu.memref_squeeze %dma_wait3A_128 : memref<1x128x64xf32, #tpu.memory_space<vmem>> -> memref<128x64xf32, #tpu.memory_space<vmem>>
    %dma_wait3A_130 = arith.constant 0 : i32
    %dma_wait3A_131 = tpu.memref_slice %arg4[%add3A_124, %dma_wait3A_130] : memref<409600x64xf32, #tpu.memory_space<hbm>> -> memref<128x64xf32, #tpu.memory_space<hbm>>
    %dma_wait3A_132 = arith.constant 0 : i32
    %dma_wait3A_133 = tpu.memref_slice %arg4[%add3A_124, %dma_wait3A_132] : memref<409600x64xf32, #tpu.memory_space<hbm>> -> memref<128x64xf32, #tpu.memory_space<hbm>>
    %dma_wait3A_134 = arith.constant 0 : i32
    %dma_wait3A_135 = arith.constant 0 : i32
    %dma_wait3A_136 = tpu.memref_slice %arg7[%dma_wait3A_125, %dma_wait3A_134, %dma_wait3A_135] : memref<10x128x64xf32, #tpu.memory_space<vmem>> -> memref<1x128x64xf32, #tpu.memory_space<vmem>>
    %dma_wait3A_137 = tpu.memref_squeeze %dma_wait3A_136 : memref<1x128x64xf32, #tpu.memory_space<vmem>> -> memref<128x64xf32, #tpu.memory_space<vmem>>
    tpu.wait_dma2 semaphore(%arg24 : memref<!tpu.dma_semaphore, #tpu.memory_space<semaphore_mem>>) src(%dma_wait3A_137 : memref<128x64xf32, #tpu.memory_space<vmem>>) dst(%dma_wait3A_133 : memref<128x64xf32, #tpu.memory_space<hbm>>)
    %add3A_138 = arith.constant 12416 : i32
    %add3A_139 = arith.addi %mul3A_2, %add3A_138 : i32
    %dma_wait3A_140 = arith.constant 7 : i32
    %dma_wait3A_141 = arith.constant 0 : i32
    %dma_wait3A_142 = arith.constant 0 : i32
    %dma_wait3A_143 = tpu.memref_slice %arg7[%dma_wait3A_140, %dma_wait3A_141, %dma_wait3A_142] : memref<10x128x64xf32, #tpu.memory_space<vmem>> -> memref<1x128x64xf32, #tpu.memory_space<vmem>>
    %dma_wait3A_144 = tpu.memref_squeeze %dma_wait3A_143 : memref<1x128x64xf32, #tpu.memory_space<vmem>> -> memref<128x64xf32, #tpu.memory_space<vmem>>
    %dma_wait3A_145 = arith.constant 0 : i32
    %dma_wait3A_146 = tpu.memref_slice %arg4[%add3A_139, %dma_wait3A_145] : memref<409600x64xf32, #tpu.memory_space<hbm>> -> memref<128x64xf32, #tpu.memory_space<hbm>>
    %dma_wait3A_147 = arith.constant 0 : i32
    %dma_wait3A_148 = tpu.memref_slice %arg4[%add3A_139, %dma_wait3A_147] : memref<409600x64xf32, #tpu.memory_space<hbm>> -> memref<128x64xf32, #tpu.memory_space<hbm>>
    %dma_wait3A_149 = arith.constant 0 : i32
    %dma_wait3A_150 = arith.constant 0 : i32
    %dma_wait3A_151 = tpu.memref_slice %arg7[%dma_wait3A_140, %dma_wait3A_149, %dma_wait3A_150] : memref<10x128x64xf32, #tpu.memory_space<vmem>> -> memref<1x128x64xf32, #tpu.memory_space<vmem>>
    %dma_wait3A_152 = tpu.memref_squeeze %dma_wait3A_151 : memref<1x128x64xf32, #tpu.memory_space<vmem>> -> memref<128x64xf32, #tpu.memory_space<vmem>>
    tpu.wait_dma2 semaphore(%arg25 : memref<!tpu.dma_semaphore, #tpu.memory_space<semaphore_mem>>) src(%dma_wait3A_152 : memref<128x64xf32, #tpu.memory_space<vmem>>) dst(%dma_wait3A_148 : memref<128x64xf32, #tpu.memory_space<hbm>>)
    %add3A_153 = arith.constant 12544 : i32
    %add3A_154 = arith.addi %mul3A_2, %add3A_153 : i32
    %dma_wait3A_155 = arith.constant 8 : i32
    %dma_wait3A_156 = arith.constant 0 : i32
    %dma_wait3A_157 = arith.constant 0 : i32
    %dma_wait3A_158 = tpu.memref_slice %arg7[%dma_wait3A_155, %dma_wait3A_156, %dma_wait3A_157] : memref<10x128x64xf32, #tpu.memory_space<vmem>> -> memref<1x128x64xf32, #tpu.memory_space<vmem>>
    %dma_wait3A_159 = tpu.memref_squeeze %dma_wait3A_158 : memref<1x128x64xf32, #tpu.memory_space<vmem>> -> memref<128x64xf32, #tpu.memory_space<vmem>>
    %dma_wait3A_160 = arith.constant 0 : i32
    %dma_wait3A_161 = tpu.memref_slice %arg4[%add3A_154, %dma_wait3A_160] : memref<409600x64xf32, #tpu.memory_space<hbm>> -> memref<128x64xf32, #tpu.memory_space<hbm>>
    %dma_wait3A_162 = arith.constant 0 : i32
    %dma_wait3A_163 = tpu.memref_slice %arg4[%add3A_154, %dma_wait3A_162] : memref<409600x64xf32, #tpu.memory_space<hbm>> -> memref<128x64xf32, #tpu.memory_space<hbm>>
    %dma_wait3A_164 = arith.constant 0 : i32
    %dma_wait3A_165 = arith.constant 0 : i32
    %dma_wait3A_166 = tpu.memref_slice %arg7[%dma_wait3A_155, %dma_wait3A_164, %dma_wait3A_165] : memref<10x128x64xf32, #tpu.memory_space<vmem>> -> memref<1x128x64xf32, #tpu.memory_space<vmem>>
    %dma_wait3A_167 = tpu.memref_squeeze %dma_wait3A_166 : memref<1x128x64xf32, #tpu.memory_space<vmem>> -> memref<128x64xf32, #tpu.memory_space<vmem>>
    tpu.wait_dma2 semaphore(%arg26 : memref<!tpu.dma_semaphore, #tpu.memory_space<semaphore_mem>>) src(%dma_wait3A_167 : memref<128x64xf32, #tpu.memory_space<vmem>>) dst(%dma_wait3A_163 : memref<128x64xf32, #tpu.memory_space<hbm>>)
    %add3A_168 = arith.constant 12672 : i32
    %add3A_169 = arith.addi %mul3A_2, %add3A_168 : i32
    %dma_wait3A_170 = arith.constant 9 : i32
    %dma_wait3A_171 = arith.constant 0 : i32
    %dma_wait3A_172 = arith.constant 0 : i32
    %dma_wait3A_173 = tpu.memref_slice %arg7[%dma_wait3A_170, %dma_wait3A_171, %dma_wait3A_172] : memref<10x128x64xf32, #tpu.memory_space<vmem>> -> memref<1x128x64xf32, #tpu.memory_space<vmem>>
    %dma_wait3A_174 = tpu.memref_squeeze %dma_wait3A_173 : memref<1x128x64xf32, #tpu.memory_space<vmem>> -> memref<128x64xf32, #tpu.memory_space<vmem>>
    %dma_wait3A_175 = arith.constant 0 : i32
    %dma_wait3A_176 = tpu.memref_slice %arg4[%add3A_169, %dma_wait3A_175] : memref<409600x64xf32, #tpu.memory_space<hbm>> -> memref<128x64xf32, #tpu.memory_space<hbm>>
    %dma_wait3A_177 = arith.constant 0 : i32
    %dma_wait3A_178 = tpu.memref_slice %arg4[%add3A_169, %dma_wait3A_177] : memref<409600x64xf32, #tpu.memory_space<hbm>> -> memref<128x64xf32, #tpu.memory_space<hbm>>
    %dma_wait3A_179 = arith.constant 0 : i32
    %dma_wait3A_180 = arith.constant 0 : i32
    %dma_wait3A_181 = tpu.memref_slice %arg7[%dma_wait3A_170, %dma_wait3A_179, %dma_wait3A_180] : memref<10x128x64xf32, #tpu.memory_space<vmem>> -> memref<1x128x64xf32, #tpu.memory_space<vmem>>
    %dma_wait3A_182 = tpu.memref_squeeze %dma_wait3A_181 : memref<1x128x64xf32, #tpu.memory_space<vmem>> -> memref<128x64xf32, #tpu.memory_space<vmem>>
    tpu.wait_dma2 semaphore(%arg27 : memref<!tpu.dma_semaphore, #tpu.memory_space<semaphore_mem>>) src(%dma_wait3A_182 : memref<128x64xf32, #tpu.memory_space<vmem>>) dst(%dma_wait3A_178 : memref<128x64xf32, #tpu.memory_space<hbm>>)
    return
  }
}

module attributes {stable_mosaic.version = 14 : i64} {
  func.func @_table_body(%arg0: memref<1x64xf32, #tpu.memory_space<vmem>>, %arg1: memref<999x64xf32, #tpu.memory_space<vmem>>, %arg2: memref<1000x64xf32, #tpu.memory_space<vmem>>) attributes {dimension_semantics = [], scalar_prefetch = 0 : i64, scratch_operands = 0 : i64, tpu.core_type = #tpu.core_type<tc>} {
    %iota3A = tpu.iota {dimensions = array<i32: 0>} : vector<1000x999xi32>
    %iota3A_0 = tpu.iota {dimensions = array<i32: 1>} : vector<1000x999xi32>
    %lt3A = arith.cmpi slt, %iota3A_0, %iota3A : vector<1000x999xi32>
    %convert_element_type3A = arith.extui %lt3A : vector<1000x999xi1> to vector<1000x999xi32>
    %convert_element_type3A_1 = arith.sitofp %convert_element_type3A : vector<1000x999xi32> to vector<1000x999xf32>
    %get3A = arith.constant 0 : index
    %get3A_2 = arith.constant 0 : index
    %get3A_3 = vector.load %arg0[%get3A, %get3A_2] : memref<1x64xf32, #tpu.memory_space<vmem>>, vector<1x64xf32>
    %get3A_4 = arith.constant 0 : index
    %get3A_5 = arith.constant 0 : index
    %get3A_6 = vector.load %arg1[%get3A_4, %get3A_5] : memref<999x64xf32, #tpu.memory_space<vmem>>, vector<999x64xf32>
    %dot_general3A = arith.constant dense<0.000000e+00> : vector<1000x64xf32>
    %dot_general3A_7 = tpu.matmul %convert_element_type3A_1, %get3A_6, %dot_general3A {dimension_numbers = #tpu.dot_dimension_numbers<[1], [0], [0], [1], [0, 0, 1, 1], [], []>, transpose_lhs_hint = false} : vector<1000x999xf32>, vector<999x64xf32>, vector<1000x64xf32> -> vector<1000x64xf32>
    %add3A = vector.broadcast %get3A_3 : vector<1x64xf32> to vector<1000x64xf32>
    %add3A_8 = arith.addf %add3A, %dot_general3A_7 : vector<1000x64xf32>
    %swap3A = arith.constant 0 : index
    %swap3A_9 = arith.constant 0 : index
    %swap3A_10 = vector.load %arg2[%swap3A, %swap3A_9] : memref<1000x64xf32, #tpu.memory_space<vmem>>, vector<1000x64xf32>
    tpu.vector_store %arg2[%swap3A, %swap3A_9], %add3A_8 {strides = array<i32>} : memref<1000x64xf32, #tpu.memory_space<vmem>>, vector<1000x64xf32>,
    return
  }
}

</mosaic_0001>

<sc_bundles>
// kernel: kernel.4.cloned.1.call-start
scs
__scs_entry_jumppad:
0x0: {  	(pc) =	sbr.rel $0x88, $3  }
0x1: {  	(tag) =	ssettag $0x0;
	lr =	simm.s32 $0x1  }
0x2: {  	[smem:$0x3F9E] =	sst lr;
	_ =	strace $0xD0000000  }
0x3: {  	_ = 	snop  }
0x4: {  	_ = 	snop  }
0x5: {  	_ = 	snop  }
0x6: {  	_ = 	snop  }
0x7: {  	_ = 	snop  }
__scs_overlays_trampoline_lowered:
0x8: {  	[smem:$0x3FAD] =	sst s0  }
0x9: {  	[smem:$0x3FAE] =	sst s1  }
0xa: {  	[smem:$0x3FAF] =	sst s2  }
0xb: {  	[smem:$0x3FB0] =	sst s3  }
0xc: {  	[smem:$0x3FB1] =	sst s4  }
0xd: {  	[smem:$0x3FB2] =	sst s5  }
0xe: {  	[smem:$0x3FB3] =	sst s6  }
0xf: {  	[smem:$0x3FB4] =	sst s7  }
0x10: {  	[smem:$0x3FB5] =	sst s8  }
0x11: {  	[smem:$0x3FB6] =	sst s9;
	s0 =	simm.s32 @!p0 $0x0  }
0x12: {  	s1 =	sld [smem:$0x3F9C];
	s0 =	simm.s32 @p0 $0x1  }
0x13: {  	[smem:$0x3FB7] =	sst s0;
	s0 =	simm.s32 @!p1 $0x0  }
0x14: {  	s2 =	sld [smem:$0x3F9B];
	s0 =	simm.s32 @p1 $0x1  }
0x15: {  	[smem:$0x3FB8] =	sst s0;
	s0 =	simm.s32 @!p2 $0x0  }
0x16: {  	s3 =	sld [smem:$0x3FDB];
	s0 =	simm.s32 @p2 $0x1  }
0x17: {  	s4 =	simm.s32 $0x1BF5;
	[smem:$0x3FBA] =	sst s0  }
0x18: {  	s0 =	sld [smem:$0x3F9D];
	_ =	swait.ge [sflag:s4], $0x0  }
0x19: {  	s7 =	sld [smem:$0x3F9E]  }
0x1a: {  	s8 =	sadd.s32 $0xFFFFE003, lr  }
0x1b: {  	s9 =	sadd.s32 $0xFFFFFEF7, lr;
	s5 =	simm.s32 $0xFFFFFFFF;
	p2 =	slt.u32 s8, $0xFFFFF086  }
0x1c: {  	p1 =	slt.u32 s9, $0xF7A;
	s5 =	simm.s32 @!p2 $0x0  }
0x1d: {  	s5 =	simm.s32 @p1 $0x1;
	p0 =	seq.s32 s7, s2  }
0x1e: {  	s7 =	smul.u32 @!p0 $0xF7A, s2;
	p2 =	seq.s32 @!p0 s5, $0x0  }
0x1f: {  	s9 =	smul.u32 $0xF7A, s1;
	s8 =	simm.s32 @!p0 $0x1BF5;
	p2 =	por !p2, p0  }
0x20: {  	[sflag:s8] =	ssyncset.s32 @!p0 $0xFFFFF086;
	s6 =	sadd.s32 @!p0 s3, s7;
	s7 =	simm.s32 @!p0 $0x108  }
0x21: {  	s3 =	sadd.s32 s3, s9;
	s6 =	sadd.s32 @!p0 $0x88, s6;
	s7 =	simm.s32 @p2 $0x1082  }
0x22: {  	[simem:s7], [sflag:s8] =	dma.local @!p0 [hbm:s6], $0xF7A  }
0x23: {  	s9 =	sor.u32 $0xD0000000, s2;
	s6 =	simm.s32 $0x108;
	_ =	swait.ge @!p0 [sflag:s8], $0x0  }
0x24: {  	s3 =	sadd.s32 $0x88, s3;
	s6 =	simm.s32 @!p1 $0x1082;
	[sflag:s4] =	ssyncset.s32 $0xFFFFF086  }
0x25: {  	[simem:s6], [sflag:s4] =	dma.local [hbm:s3], $0xF7A  }
0x26: {  	[smem:$0x3F9E] =	sst s1;
	(tag) =	ssettag s2;
	_ =	strace s9  }
0x27: {  	s1 =	sld [smem:$0x3FAE]  }
0x28: {  	s2 =	sld [smem:$0x3FAF]  }
0x29: {  	s4 =	sld [smem:$0x3FB1]  }
0x2a: {  	p0 =	seq.s32 s5, $0x0;
	s5 =	sld [smem:$0x3FB2]  }
0x2b: {  	s6 =	sld [smem:$0x3FB3]  }
0x2c: {  	s7 =	sld [smem:$0x3FB4]  }
0x2d: {  	s3 =	simm.s32 $0x108;
	s8 =	sld [smem:$0x3FB5]  }
0x2e: {  	s3 =	simm.s32 @!p0 $0x1082;
	s9 =	sld [smem:$0x3FB6]  }
0x2f: {  	lr =	sadd.s32 s0, s3;
	s0 =	sld [smem:$0x3FAD]  }
0x30: {  	s3 =	sld [smem:$0x3FB0]  }
0x31: {  	[smem:$0x3FB9] =	sst s10  }
0x32: {  	s10 =	sld [smem:$0x3FB7];
	_ =	sdelay $0x3  }
0x33: {  	p0 =	seq.s32 s10, $0x1;
	s10 =	sld [smem:$0x3FB9];
	_ =	sdelay $0x3  }
0x34: {  	[smem:$0x3FB9] =	sst s10  }
0x35: {  	s10 =	sld [smem:$0x3FB8];
	_ =	sdelay $0x3  }
0x36: {  	p1 =	seq.s32 s10, $0x1;
	s10 =	sld [smem:$0x3FB9];
	_ =	sdelay $0x3  }
0x37: {  	[smem:$0x3FB9] =	sst s10  }
0x38: {  	s10 =	sld [smem:$0x3FBA]  }
0x39: {  	_ = 	snop;
	(pc) =	sbr.ind lr, $3  }
0x3a: {  	_ = 	snop  }
0x3b: {  	_ = 	snop  }
0x3c: {  	p2 =	seq.s32 s10, $0x1;
	s10 =	sld [smem:$0x3FB9]  }
0x3d: {  	_ =	shalt  }
0x3e: {  	_ =	shalt  }
0x3f: {  	_ =	shalt  }
0x40: {  	_ =	shalt  }
0x41: {  	_ =	shalt  }
0x42: {  	_ =	shalt  }
0x43: {  	_ =	shalt  }
0x44: {  	_ =	shalt  }
0x45: {  	_ =	shalt  }
0x46: {  	_ =	shalt  }
0x47: {  	_ =	shalt  }
0x48: {  	_ =	shalt  }
0x49: {  	_ =	shalt  }
0x4a: {  	_ =	shalt  }
0x4b: {  	_ =	shalt  }
0x4c: {  	_ =	shalt  }
0x4d: {  	_ =	shalt  }
0x4e: {  	_ =	shalt  }
0x4f: {  	_ =	shalt  }
0x50: {  	_ =	shalt  }
0x51: {  	_ =	shalt  }
0x52: {  	_ =	shalt  }
0x53: {  	_ =	shalt  }
0x54: {  	_ =	shalt  }
0x55: {  	_ =	shalt  }
0x56: {  	_ =	shalt  }
0x57: {  	_ =	shalt  }
0x58: {  	_ =	shalt  }
0x59: {  	_ =	shalt  }
0x5a: {  	_ =	shalt  }
0x5b: {  	_ =	shalt  }
0x5c: {  	_ =	shalt  }
0x5d: {  	_ =	shalt  }
0x5e: {  	_ =	shalt  }
0x5f: {  	_ =	shalt  }
0x60: {  	_ =	shalt  }
0x61: {  	_ =	shalt  }
0x62: {  	_ =	shalt  }
0x63: {  	_ =	shalt  }
0x64: {  	_ =	shalt  }
0x65: {  	_ =	shalt  }
0x66: {  	_ =	shalt  }
0x67: {  	_ =	shalt  }
0x68: {  	_ =	shalt  }
0x69: {  	_ =	shalt  }
0x6a: {  	_ =	shalt  }
0x6b: {  	_ =	shalt  }
0x6c: {  	_ =	shalt  }
0x6d: {  	_ =	shalt  }
0x6e: {  	_ =	shalt  }
0x6f: {  	_ =	shalt  }
0x70: {  	_ =	shalt  }
0x71: {  	_ =	shalt  }
0x72: {  	_ =	shalt  }
0x73: {  	_ =	shalt  }
0x74: {  	_ =	shalt  }
0x75: {  	_ =	shalt  }
0x76: {  	_ =	shalt  }
0x77: {  	_ =	shalt  }
0x78: {  	_ =	shalt  }
0x79: {  	_ =	shalt  }
0x7a: {  	_ =	shalt  }
0x7b: {  	_ =	shalt  }
0x7c: {  	_ =	shalt  }
0x7d: {  	_ =	shalt  }
0x7e: {  	_ =	shalt  }
0x7f: {  	_ =	shalt  }
0x80: {  	_ =	shalt  }
0x81: {  	_ =	shalt  }
0x82: {  	_ =	shalt  }
0x83: {  	_ =	shalt  }
0x84: {  	_ =	shalt  }
0x85: {  	_ =	shalt  }
0x86: {  	_ =	shalt  }
0x87: {  	_ =	shalt  }
.Lfunc_end0:
.L_simem_size_0:
called_computation.1_lowered:
.L_overlay_start_0:
0x88: {  	s2 =	sld [smem:$0x3FD9]  }
0x89: {  	s3 =	sld [smem:$0x3FFE];
	_ =	sdelay $0x1  }
0x8a: {  	s1 =	srdreg.scid  }
0x8b: {  	s0 =	sand.u32 $0x1, s1  }
0x8c: {  	s17 =	sshll.u32 s0, $0xA;
	s2 =	sadd.s32 s3, s2  }
0x8d: {  	s2 =	sadd.s32 s2, s17  }
0x8e: {  	[smem:$0x3FC5] =	sst s2  }
0x8f: {  	_ = 	snop  }
0x90: {  	s2 =	sld [smem:$0x3FD0];
	(tm) =	ssettm $0x1  }
0x91: {  	s18 =	sld [smem:$0x3FFB];
	_ =	sdelay $0x3  }
0x92: {  	_ =	strace s18  }
0x93: {  	s3 =	sld [smem:$0x3FFC];
	_ =	sdelay $0x3  }
0x94: {  	_ =	strace s3  }
0x95: {  	s3 =	sld [smem:$0x3FFD];
	_ =	sdelay $0x3  }
0x96: {  	_ =	strace s3  }
0x97: {  	_ =	strace $0x8FFFFFFF  }
0x98: {  	s19 =	sld [smem:$0x3FDB];
	_ =	sdelay $0x1  }
0x99: {  	s4 =	simm.s32 $_scs_section_size  }
0x9a: {  	s5 =	simm.s32 $_size__tile_overlayer_lowered;
	s6 =	simm.s32 $_tile_overlayer_lowered  }
0x9b: {  	s22 =	simm.s32 $0x1BFF;
	s21 =	sshll.u32 s6, $0x1;
	s3 =	sadd.s32 s4, s19  }
0x9c: {  	s7 =	simm.s32 $0x0;
	s20 =	sshll.u32 s5, $0x1;
	s5 =	sadd.s32 s21, s3  }
0x9d: {  	[timem:s7], [sflag:s22] =	dma.local [hbm:s5], s20  }
0x9e: {  	_ =	swait.ge [sflag:s22], s20  }
0x9f: {  	s4 =	ssub.s32 $0x0, s20;
	[sflag:s22] =	ssyncset.done $0x0  }
0xa0: {  	[sflag:s22] =	ssyncadd.s32 s4;
	_ =	sdelay $0x1  }
0xa1: {  	s23 =	simm.s32 $0x1B8B  }
0xa2: {  	_ =	swait.ge [sflag:s23], $0x1  }
0xa3: {  	[sflag:s23] =	ssyncset.done $0x0  }
0xa4: {  	s25 =	simm.s32 $0x1B8E;
	s24 =	sld [smem:$0x3FFE];
	[sflag:s23] =	ssyncadd.s32 $0xFFFFFFFF  }
0xa5: {  	s26 =	simm.s32 $execute0_lowered;
	[smem:$0x3FD2] =	sst s25  }
0xa6: {  	s5 =	sshll.u32 s26, $0x1;
	_ =	strace $0x80000046;
	[dreg:$0x1] =	wrdreg $0xFFFFFFFF  }
0xa7: {  	s28 =	simm.s32 $_size_execute0_lowered;
	s3 =	sadd.s32 s3, s5;
	[dreg:$0x0] =	wrdreg $0x0  }
0xa8: {  	s5 =	sshll.u32 s28, $0x1;
	[dreg:$0x2] =	wrdreg s3  }
0xa9: {  	[dreg:$0x3] =	wrdreg s5  }
0xaa: {  	[dreg:$0x4] =	wrdreg $0xC0  }
0xab: {  	_ =	task [dreg:s7], $0x5FFFF  }
0xac: {  	[dreg:$0x1] =	wrdreg $0xFFFFFFFF  }
0xad: {  	[dreg:$0x0] =	wrdreg $0x60  }
0xae: {  	[dreg:$0x2] =	wrdreg s24  }
0xaf: {  	[dreg:$0x3] =	wrdreg s2  }
0xb0: {  	[dreg:$0x4] =	wrdreg $0x0  }
0xb1: {  	[dreg:$0x5] =	wrdreg $0x9  }
0xb2: {  	_ =	task.clear_ibuf [dreg:s7], $0x6FFFF;
	_ =	strace $0x90000046  }
0xb3: {  	s29 =	simm.s32 $0x9;
	_ =	strace $0x80000048  }
0xb4: {  	_ =	swait.ge [sflag:s29], $0x1  }
0xb5: {  	[sflag:s29] =	ssyncadd.s32 $0xFFFFFFFF  }
0xb6: {  	_ =	strace $0x90000048  }
0xb7: {  	_ =	sfence  }
0xb8: {  	s30 =	sld [smem:$0x0];
	_ =	sdelay $0x2  }
0xb9: {  	s31 =	sshll.u32 s1, $0xD;
	s1 =	sshrl.u32 s1, $0x2  }
0xba: {  	s3 =	sand.u32 $0x4000, s31;
	s1 =	sadd.s32 s1, s30  }
0xbb: {  	s0 =	sor.u32 s3, s0;
	s1 =	sshll.u32 s1, $0x11  }
0xbc: {  	s0 =	sor.u32 s1, s0  }
0xbd: {  	s0 =	sadd.s32 $0x8F2B, s0  }
0xbe: {  	[sflag:s0] =	ssyncadd.remote.s32 $0x1  }
0xbf: {  	_ =	sfence.sel $0xFFFF  }
0xc0: {  	[dreg:$0x0] =	wrdreg $0xFFFFFFFF;
	(pc) =	sbr.abs _section_cstart, $3  }
0xc1: {  	[dreg:$0x1] =	wrdreg $0xFFFFFFFF  }
0xc2: {  	_ =	task.clear_ibuf [dreg:s7], $0x2FFFF;
	_ =	strace $0x9FFFFFFF  }
0xc3: {  	(tm) =	ssettm $0x7FFFFFFF  }
tec
execute0_lowered:
.L_overlay_start_1:
0x0: {  	(tag) =	ssettag $0x1  }
0x1: {  	s0 =	rddreg [dreg:$0x0];
	s1 =	srdreg.scid  }
0x2: {  	s3 =	stileid.u32;
	s2 =	rddreg [dreg:$0x1]  }
0x3: {  	s9 =	rddreg [dreg:$0x2];
	s6 =	simm.s32 $0x0;
	s31 =	simm.s32 $0x41A0  }
0x4: {  	s28 =	simm.s32 $0x161A0;
	s1 =	sand.u32 $0x1, s1;
	s4 =	sshll.u32 s3, $0x1  }
0x5: {  	[smem:$0x7FF] =	sst s6;
	s23 =	smul.u32 $0x6400, s3;
	s5 =	sor.u32 s1, s4  }
0x6: {  	s22 =	sadd.s32 $0xA00, s0;
	_ =	strace $0x80000047;
	s4 =	smul.u32 $0x3200, s5  }
0x7: {  	[dreg:$0xc] =	wrdreg s22;
	s8 =	ssub.s32 $0x2, s1;
	s5 =	smul.u32 $0xC8000, s5  }
0x8: {  	s1 =	smul.u32 $0x3200, s1;
	[dreg:$0x4] =	wrdreg s31;
	s7 =	sshrl.u32 s4, $0x3  }
0x9: {  	s24 =	sshrl.u32 s8, $0x1;
	s5 =	sshrl.u32 s5, $0x3;
	s0 =	sadd.s32 s7, s0  }
0xa: {  	s1 =	sadd.s32 s1, s23;
	s5 =	sadd.s32 s2, s5;
	s0 =	sadd.s32 $0x2A00, s0  }
0xb: {  	s7 =	ssub.s32 s8, s24;
	s25 =	sadd.s32 $0x18C00, s5;
	[dreg:$0xd] =	wrdreg s0  }
0xc: {  	s26 =	sshll.u32 s1, $0x3;
	s29 =	smax.u32 s7, $0x1;
	[dreg:$0xe] =	wrdreg s25  }
0xd: {  	p0 =	sne.s32 s3, $0x0;
	[dreg:$0xf] =	wrdreg s29;
	s0 =	sadd.s32 $0x1FFFFC00, s26  }
0xe: {  	s30 =	simm.s32 $0x9;
	[dreg:$0x10] =	wrdreg s0;
	s0 =	sshrl.u32 @!p0 s9, $0x3  }
0xf: {  	s2 =	simm.s32 $0x0;
	s26 =	simm.s32 $0x141A0;
	[dreg:$0x11] =	wrdreg s0  }
.LBB2_1:
0x10: {  	[dreg:$0x12] =	wrdreg s2  }
0x11: {  	s1 =	rddreg [dreg:$0xc]  }
0x12: {  	s0 =	simm.s32 @!p0 $0x1C15;
	s2 =	rddreg [dreg:$0x11]  }
0x13: {  	s23 =	simm.s32 $0x0;
	s20 =	simm.s32 $0xFA0;
	s21 =	simm.s32 $0x15  }
0x14: {  	p2 =	por $0x0, $0x0;
	s22 =	simm.s32 $0x1400;
	s14 =	simm.s32 $0x0  }
0x15: {  	[spmem:s2], [sflag:s0] =	dma.local @!p0 [hbm:s1], $0x1F40  }
0x16: {  	s17 =	simm.s32 $0x61A0;
	s0 =	simm.s32 @!p0 $0x15;
	p1 =	por p2, p2  }
0x17: {  	s14 =	simm.s32 @!p2 $0x0;
	_ =	swait.ge @!p0 [sflag:s0], $0x1F40;
	s3 =	simm.s32 @p1 $0xB  }
0x18: {  	s5 =	sadd.s32 s4, s14;
	s6 =	simm.s32 @p1 $0x41A0;
	s7 =	simm.s32 @p1 $0xA  }
0x19: {  	s24 =	sor.u32 $0x80, s14;
	s25 =	sadd.s32 $0x100, s14;
	s8 =	simm.s32 @p1 $0x161A0  }
0x1a: {  	s9 =	simm.s32 @p1 $0xC;
	s13 =	sadd.s32 $0x180, s14;
	[sflag:s0] =	ssyncset.done @!p0 $0x0  }
0x1b: {  	s16 =	sadd.s32 $0x1020, s14;
	s18 =	sadd.s32 $0x200, s14;
	[sflag:s0] =	ssyncadd.s32 @!p0 $0xFFFFE0C0  }
0x1c: {  	s5 =	sshll.u32 s5, $0x3;
	s29 =	sadd.s32 s4, s25;
	[bflag:$0x0] =	sbarrier.arrive $0xFFFF  }
0x1d: {  	s25 =	simm.s32 $0x80;
	s0 =	simm.s32 @p2 $0xFA0;
	s19 =	rddreg [dreg:$0xd]  }
0x1e: {  	[tilespmem:s20], [sflag:$0x15] =	stream.linear.gather [hbm4b:s19+s23], $0x3200, $0x38;
	[tilespmem:$0x181A0] =	vst v63  }
0x1f: {  	s11 =	sshll.u32 s29, $0x3;
	s5 =	sand.u32 $0x1FFFF800, s5;
	_ =	swait.ge [sflag:s21], $0x3200  }
0x20: {  	s29 =	simm.s32 $0x2;
	[dreg:$0x5] =	wrdreg s22;
	[sflag:s21] =	ssyncset.done $0x0  }
0x21: {  	s19 =	simm.s32 $0x1;
	s12 =	rddreg [dreg:$0x10];
	[sflag:s21] =	ssyncadd.s32 $0xFFFFCE00  }
0x22: {  	s22 =	sadd.s32 $0x10A0, s14;
	s10 =	rddreg [dreg:$0x1];
	_ =	swait.ge @p1 [sflag:s3], $0x2000  }
0x23: {  	s1 =	sand.u32 @p2 $0x1FFFFC00, s12;
	s21 =	sadd.s32 $0x280, s14;
	[sflag:s3] =	ssyncset.done @p1 $0x0  }
0x24: {  	s1 =	sadd.s32 @p2 s10, s1;
	s5 =	sadd.s32 s10, s5;
	[sflag:s3] =	ssyncadd.s32 @p1 $0xFFFFE000  }
0x25: {  	p2 =	por $0x1, $0x1;
	s3 =	simm.s32 @p1 $0x80;
	s15 =	rddreg [dreg:$0x2]  }
0x26: {  	[tilespmem:s6], [sflag:$0x1] =	stream.indirect.gather @p1 [spmem:s15], $0x40, s0, s3, $0xb8;
	[tilespmem:$0x181A0] =	vst v63  }
0x27: {  	s0 =	sadd.s32 s4, s24;
	s6 =	simm.s32 @p1 $0x0;
	_ =	swait.ge @p1 [sflag:s7], $0x2000  }
0x28: {  	s24 =	sadd.s32 $0x300, s14;
	s0 =	sshll.u32 s0, $0x3;
	[sflag:s7] =	ssyncset.done @p1 $0x0  }
0x29: {  	s2 =	sand.u32 $0x1FFFFC00, s0;
	s0 =	simm.s32 @!p1 $0x41A0;
	[sflag:s7] =	ssyncadd.s32 @p1 $0xFFFFE000  }
0x2a: {  	[hbm4b:s1+s6] =	stream.linear.scatter @p1 [tilespmem:s8], [sflag:$0x14], $0x2000, $0x38;
	[tilespmem:$0x181A0] =	vst v63  }
0x2b: {  	s7 =	simm.s32 @!p1 $0xFA0;
	s3 =	sadd.s32 s10, s2;
	_ =	swait.ge @p1 [sflag:s9], $0x2000  }
0x2c: {  	s6 =	simm.s32 @!p1 $0x80;
	s1 =	sadd.s32 s4, s13;
	[sflag:s9] =	ssyncset.done @p1 $0x0  }
0x2d: {  	s13 =	simm.s32 $0x81A0;
	s1 =	sshll.u32 s1, $0x3;
	[sflag:s9] =	ssyncadd.s32 @p1 $0xFFFFE000  }
0x2e: {  	[tilespmem:s0], [sflag:$0x1] =	stream.indirect.gather @!p1 [spmem:s15], $0x40, s7, s6, $0xb8;
	[tilespmem:$0x181A0] =	vst v63  }
0x2f: {  	s6 =	sand.u32 $0x1FFFF800, s11;
	s0 =	sadd.s32 s4, s18;
	p1 =	por $0x1, $0x1  }
0x30: {  	[tilespmem:s17], [sflag:$0x2] =	stream.indirect.gather [spmem:s15], $0x40, s16, s25, $0xb8;
	[tilespmem:$0x181A0] =	vst v63  }
0x31: {  	s7 =	sand.u32 $0x1FFFFC00, s1;
	s11 =	sadd.s32 $0x380, s14;
	_ =	swait.ge [sflag:s19], $0x2000  }
0x32: {  	s18 =	simm.s32 $0x3;
	s8 =	simm.s32 @!p1 $0xD;
	[sflag:s19] =	ssyncset.done $0x0  }
0x33: {  	s0 =	sshll.u32 s0, $0x3;
	s20 =	rddreg [dreg:$0x4];
	[sflag:s19] =	ssyncadd.s32 $0xFFFFE000  }
0x34: {  	[hbm4b:s5+s23] =	stream.linear.scatter [tilespmem:s20], [sflag:$0xB], $0x2000, $0x38;
	[tilespmem:$0x181A0] =	vst v63  }
0x35: {  	s1 =	sand.u32 $0x1FFFF800, s0;
	s0 =	sadd.s32 s4, s21;
	_ =	swait.ge @!p1 [sflag:s8], $0x2000  }
0x36: {  	s16 =	sadd.s32 $0x400, s14;
	s0 =	sshll.u32 s0, $0x3;
	[sflag:s8] =	ssyncset.done @!p1 $0x0  }
0x37: {  	s9 =	sadd.s32 s4, s16;
	s16 =	simm.s32 $0xA1A0;
	[sflag:s8] =	ssyncadd.s32 @!p1 $0xFFFFE000  }
0x38: {  	[tilespmem:s13], [sflag:$0x3] =	stream.indirect.gather [spmem:s15], $0x40, s22, s25, $0xb8;
	[tilespmem:$0x181A0] =	vst v63  }
0x39: {  	s1 =	sadd.s32 s10, s1;
	s0 =	sand.u32 $0x1FFFFC00, s0;
	_ =	swait.ge [sflag:s29], $0x2000  }
0x3a: {  	s19 =	sadd.s32 $0x2800, s12;
	s12 =	simm.s32 $0x500;
	[sflag:s29] =	ssyncset.done $0x0  }
0x3b: {  	s0 =	sadd.s32 s10, s0;
	s8 =	simm.s32 @!p1 $0xE;
	[sflag:s29] =	ssyncadd.s32 $0xFFFFE000  }
0x3c: {  	[hbm4b:s3+s23] =	stream.linear.scatter [tilespmem:s17], [sflag:$0xC], $0x2000, $0x38;
	[tilespmem:$0x181A0] =	vst v63  }
0x3d: {  	s5 =	sadd.s32 s4, s24;
	s20 =	sadd.s32 s10, s6;
	_ =	swait.ge @!p1 [sflag:s8], $0x2000  }
0x3e: {  	s6 =	simm.s32 @!p1 $0xF;
	s12 =	simm.s32 @!p2 $0x0;
	[sflag:s8] =	ssyncset.done @!p1 $0x0  }
0x3f: {  	s3 =	sadd.s32 s4, s11;
	s11 =	sadd.s32 $0x1120, s14;
	[sflag:s8] =	ssyncadd.s32 @!p1 $0xFFFFE000  }
0x40: {  	[tilespmem:s16], [sflag:$0x4] =	stream.indirect.gather [spmem:s15], $0x40, s11, s25, $0xb8;
	[tilespmem:$0x181A0] =	vst v63  }
0x41: {  	s24 =	simm.s32 $0x4;
	s5 =	sshll.u32 s5, $0x3;
	_ =	swait.ge [sflag:s18], $0x2000  }
0x42: {  	s22 =	sadd.s32 $0x11A0, s14;
	s29 =	sadd.s32 s4, s12;
	[sflag:s18] =	ssyncset.done $0x0  }
0x43: {  	s17 =	sshll.u32 s9, $0x3;
	s9 =	sadd.s32 $0x280, s12;
	[sflag:s18] =	ssyncadd.s32 $0xFFFFE000  }
0x44: {  	[hbm4b:s20+s23] =	stream.linear.scatter [tilespmem:s13], [sflag:$0xD], $0x2000, $0x38;
	[tilespmem:$0x181A0] =	vst v63  }
0x45: {  	s21 =	sshll.u32 s3, $0x3;
	s2 =	sand.u32 $0x1FFFF800, s17;
	_ =	swait.ge @!p1 [sflag:s6], $0x2000  }
0x46: {  	s17 =	simm.s32 $0x500;
	s3 =	sand.u32 @p2 $0x1FFFFC00, s19;
	[sflag:s6] =	ssyncset.done @!p1 $0x0  }
0x47: {  	s8 =	simm.s32 $0x2800;
	s11 =	simm.s32 $0xC1A0;
	[sflag:s6] =	ssyncadd.s32 @!p1 $0xFFFFE000  }
0x48: {  	[tilespmem:s11], [sflag:$0x5] =	stream.indirect.gather [spmem:s15], $0x40, s22, s25, $0xb8;
	[tilespmem:$0x181A0] =	vst v63  }
0x49: {  	s18 =	sadd.s32 @p2 s10, s3;
	s20 =	simm.s32 @p2 $0x14A0;
	_ =	swait.ge [sflag:s24], $0x2000  }
0x4a: {  	s13 =	sadd.s32 s10, s7;
	s7 =	simm.s32 @!p1 $0x10;
	[sflag:s24] =	ssyncset.done $0x0  }
0x4b: {  	p2 =	por p2, p2;
	s22 =	sadd.s32 $0x100, s12;
	[sflag:s24] =	ssyncadd.s32 $0xFFFFE000  }
0x4c: {  	[hbm4b:s13+s23] =	stream.linear.scatter [tilespmem:s16], [sflag:$0xE], $0x2000, $0x38;
	[tilespmem:$0x181A0] =	vst v63  }
0x4d: {  	s6 =	sadd.s32 s4, s22;
	s24 =	sshll.u32 s29, $0x3;
	s16 =	sor.u32 $0x80, s12  }
0x4e: {  	s29 =	sadd.s32 $0x1220, s14;
	_ =	swait.ge @!p1 [sflag:s7], $0x2000;
	s3 =	sadd.s32 s4, s16  }
0x4f: {  	s13 =	simm.s32 $0xE1A0;
	[sflag:s7] =	ssyncset.done @!p1 $0x0;
	s3 =	sshll.u32 s3, $0x3  }
0x50: {  	[sflag:s7] =	ssyncadd.s32 @!p1 $0xFFFFE000;
	s16 =	sand.u32 $0x1FFFFC00, s3;
	s3 =	simm.s32 $0x5  }
0x51: {  	[tilespmem:s13], [sflag:$0x6] =	stream.indirect.gather [spmem:s15], $0x40, s29, s25, $0xb8;
	[tilespmem:$0x181A0] =	vst v63  }
0x52: {  	s22 =	sshll.u32 s6, $0x3;
	s6 =	simm.s32 $0x6;
	_ =	swait.ge [sflag:s3], $0x2000  }
0x53: {  	s31 =	sand.u32 $0x1FFFF800, s22;
	s22 =	sadd.s32 $0x200, s12;
	[sflag:s3] =	ssyncset.done $0x0  }
0x54: {  	s7 =	simm.s32 @!p1 $0x11;
	s29 =	sadd.s32 $0x180, s12;
	[sflag:s3] =	ssyncadd.s32 $0xFFFFE000  }
0x55: {  	[hbm4b:s1+s23] =	stream.linear.scatter [tilespmem:s11], [sflag:$0xF], $0x2000, $0x38;
	[tilespmem:$0x181A0] =	vst v63  }
0x56: {  	s3 =	sadd.s32 s4, s22;
	s11 =	sadd.s32 s4, s29;
	s29 =	sadd.s32 $0x12A0, s14  }
0x57: {  	s3 =	sshll.u32 s3, $0x3;
	_ =	swait.ge @!p1 [sflag:s7], $0x2000;
	s1 =	sshll.u32 s11, $0x3  }
0x58: {  	s11 =	sadd.s32 $0x300, s12;
	[sflag:s7] =	ssyncset.done @!p1 $0x0;
	s1 =	sand.u32 $0x1FFFFC00, s1  }
0x59: {  	[sflag:s7] =	ssyncadd.s32 @!p1 $0xFFFFE000;
	s7 =	simm.s32 $0x101A0;
	[dreg:$0xa] =	wrdreg s1  }
0x5a: {  	[tilespmem:s7], [sflag:$0x7] =	stream.indirect.gather [spmem:s15], $0x40, s29, s25, $0xb8;
	[tilespmem:$0x181A0] =	vst v63  }
0x5b: {  	s1 =	sand.u32 $0x1FFFF800, s3;
	s3 =	sadd.s32 s4, s11;
	_ =	swait.ge [sflag:s6], $0x2000  }
0x5c: {  	s11 =	sadd.s32 $0x380, s12;
	s22 =	sshll.u32 s3, $0x3;
	[sflag:s6] =	ssyncset.done $0x0  }
0x5d: {  	s29 =	sadd.s32 $0x400, s12;
	[dreg:$0x8] =	wrdreg s1;
	[sflag:s6] =	ssyncadd.s32 $0xFFFFE000  }
0x5e: {  	[hbm4b:s0+s23] =	stream.linear.scatter [tilespmem:s13], [sflag:$0x10], $0x2000, $0x38;
	[tilespmem:$0x181A0] =	vst v63  }
0x5f: {  	s1 =	simm.s32 @!p1 $0x12;
	s6 =	simm.s32 $0x121A0;
	s0 =	sadd.s32 s4, s9  }
0x60: {  	s13 =	sadd.s32 $0x1320, s14;
	s14 =	sadd.s32 $0x13A0, s14;
	_ =	swait.ge @!p1 [sflag:s1], $0x2000  }
0x61: {  	s0 =	sshll.u32 s0, $0x3;
	[dreg:$0x6] =	wrdreg s22;
	[sflag:s1] =	ssyncset.done @!p1 $0x0  }
0x62: {  	[dreg:$0x9] =	wrdreg s0;
	[sflag:s1] =	ssyncadd.s32 @!p1 $0xFFFFE000;
	s1 =	simm.s32 $0x7  }
0x63: {  	[tilespmem:s6], [sflag:$0x8] =	stream.indirect.gather [spmem:s15], $0x40, s13, s25, $0xb8;
	[tilespmem:$0x181A0] =	vst v63  }
0x64: {  	s0 =	sadd.s32 s4, s29;
	s29 =	simm.s32 $0x8;
	_ =	swait.ge [sflag:s1], $0x2000  }
0x65: {  	s0 =	sshll.u32 s0, $0x3;
	s13 =	sand.u32 $0x1FFFF800, s5;
	[sflag:s1] =	ssyncset.done $0x0  }
0x66: {  	s3 =	sadd.s32 s10, s13;
	s13 =	simm.s32 @!p1 $0x13;
	[sflag:s1] =	ssyncadd.s32 $0xFFFFE000  }
0x67: {  	[hbm4b:s3+s23] =	stream.linear.scatter [tilespmem:s7], [sflag:$0x11], $0x2000, $0x38;
	[tilespmem:$0x181A0] =	vst v63  }
0x68: {  	s22 =	sand.u32 $0x1FFFF800, s0;
	s1 =	sadd.s32 s4, s11;
	_ =	swait.ge @!p1 [sflag:s13], $0x2000  }
0x69: {  	s1 =	sshll.u32 s1, $0x3;
	s3 =	sadd.s32 s10, s2;
	[sflag:s13] =	ssyncset.done @!p1 $0x0  }
0x6a: {  	[dreg:$0x7] =	wrdreg s1;
	s1 =	simm.s32 @p2 $0x41A0;
	[sflag:s13] =	ssyncadd.s32 @!p1 $0xFFFFE000  }
0x6b: {  	[tilespmem:s26], [sflag:$0x9] =	stream.indirect.gather [spmem:s15], $0x40, s14, s25, $0xb8;
	[tilespmem:$0x181A0] =	vst v63  }
0x6c: {  	s13 =	simm.s32 @!p1 $0x14;
	s26 =	sand.u32 $0x1FFFFC00, s21;
	_ =	swait.ge [sflag:s29], $0x2000  }
0x6d: {  	s14 =	simm.s32 $0x1420;
	s25 =	simm.s32 @!p2 $0x41A0;
	[sflag:s29] =	ssyncset.done $0x0  }
0x6e: {  	s21 =	sadd.s32 $0x1020, s12;
	s0 =	sadd.s32 s10, s26;
	[sflag:s29] =	ssyncadd.s32 $0xFFFFE000  }
0x6f: {  	[hbm4b:s0+s23] =	stream.linear.scatter [tilespmem:s6], [sflag:$0x12], $0x2000, $0x38;
	[tilespmem:$0x181A0] =	vst v63  }
0x70: {  	s26 =	sadd.s32 $0x2800, s19;
	s0 =	simm.s32 @p2 $0xA;
	_ =	swait.ge @!p1 [sflag:s13], $0x2000  }
.LBB2_2:
0x71: {  	p4 =	sne.s32 s8, $0x0;
	[sflag:s13] =	ssyncset.done @!p1 $0x0  }
0x72: {  	s2 =	rddreg [dreg:$0x5];
	s5 =	smov.u32 s22;
	s17 =	sadd.s32 $0x500, s17  }
0x73: {  	s7 =	simm.s32 $0x80;
	s6 =	simm.s32 $0x0;
	s15 =	simm.s32 $0x141A0  }
0x74: {  	s29 =	smov.u32 s2;
	s2 =	smov.u32 s8;
	[dreg:$0xb] =	wrdreg s5  }
0x75: {  	s22 =	simm.s32 @p2 $0xC;
	[sflag:s13] =	ssyncadd.s32 @!p1 $0xFFFFE000;
	[dreg:$0x5] =	wrdreg s2  }
0x76: {  	s24 =	sand.u32 $0x1FFFF800, s24;
	s13 =	sand.u32 @p4 $0x1FFFFC00, s26;
	s5 =	rddreg [dreg:$0x2]  }
0x77: {  	[tilespmem:s28], [sflag:$0xA] =	stream.indirect.gather [spmem:s5], $0x40, s14, s7, $0xb8;
	[tilespmem:$0x181A0] =	vst v63  }
0x78: {  	s19 =	sshra.s32 @p4 s2, $0x2;
	s14 =	smov.u32 s17;
	_ =	swait.ge [sflag:s30], $0x2000  }
0x79: {  	p1 =	seq.s32 s29, $0x0;
	s14 =	simm.s32 @!p4 $0x0;
	[sflag:s30] =	ssyncset.done $0x0  }
0x7a: {  	s19 =	sadd.s32 @p4 $0xFA0, s19;
	s10 =	sadd.s32 s4, s14;
	s11 =	rddreg [dreg:$0x1]  }
0x7b: {  	[sflag:s30] =	ssyncadd.s32 $0xFFFFE000;
	s23 =	sadd.s32 @p4 s11, s13;
	s13 =	simm.s32 @p2 $0xB  }
0x7c: {  	[hbm4b:s3+s6] =	stream.linear.scatter [tilespmem:s15], [sflag:$0x13], $0x2000, $0x38;
	[tilespmem:$0x181A0] =	vst v63  }
0x7d: {  	s9 =	sor.u32 $0x80, s14;
	s30 =	simm.s32 @p2 $0x161A0;
	_ =	swait.ge @p2 [sflag:s13], $0x2000  }
0x7e: {  	s28 =	sshll.u32 s10, $0x3;
	s10 =	sadd.s32 $0x100, s14;
	[sflag:s13] =	ssyncset.done @p2 $0x0  }
0x7f: {  	s3 =	simm.s32 @p2 $0x0;
	[sflag:s13] =	ssyncadd.s32 @p2 $0xFFFFE000;
	s13 =	simm.s32 @p2 $0x80  }
0x80: {  	[tilespmem:s1], [sflag:$0x1] =	stream.indirect.gather @p2 [spmem:s5], $0x40, s20, s13, $0xb8;
	[tilespmem:$0x181A0] =	vst v63  }
0x81: {  	s2 =	sadd.s32 s4, s10;
	s10 =	simm.s32 $0x61A0;
	_ =	swait.ge @p2 [sflag:s0], $0x2000  }
0x82: {  	s15 =	sshll.u32 s2, $0x3;
	s2 =	sadd.s32 s11, s16;
	[sflag:s0] =	ssyncset.done @p2 $0x0  }
0x83: {  	s16 =	simm.s32 @!p1 $0xE;
	s13 =	sadd.s32 s4, s9;
	[sflag:s0] =	ssyncadd.s32 @p2 $0xFFFFE000  }
0x84: {  	[hbm4b:s18+s3] =	stream.linear.scatter @p2 [tilespmem:s30], [sflag:$0x14], $0x2000, $0x38;
	[tilespmem:$0x181A0] =	vst v63  }
0x85: {  	s1 =	simm.s32 @!p2 $0x80;
	s13 =	sshll.u32 s13, $0x3;
	_ =	swait.ge @p2 [sflag:s22], $0x2000  }
0x86: {  	s20 =	simm.s32 @!p2 $0xFA0;
	s3 =	sand.u32 $0x1FFFFC00, s13;
	[sflag:s22] =	ssyncset.done @p2 $0x0  }
0x87: {  	s18 =	sadd.s32 $0x180, s14;
	s13 =	sand.u32 $0x1FFFF800, s15;
	[sflag:s22] =	ssyncadd.s32 @p2 $0xFFFFE000  }
0x88: {  	[tilespmem:s25], [sflag:$0x1] =	stream.indirect.gather @!p2 [spmem:s5], $0x40, s20, s1, $0xb8;
	[tilespmem:$0x181A0] =	vst v63  }
0x89: {  	s15 =	simm.s32 $0x1;
	s22 =	sadd.s32 s4, s18;
	s20 =	sadd.s32 $0x200, s14  }
0x8a: {  	s25 =	sadd.s32 s11, s24;
	s1 =	sshll.u32 s22, $0x3;
	s22 =	sadd.s32 $0x300, s14  }
0x8b: {  	[tilespmem:s10], [sflag:$0x2] =	stream.indirect.gather [spmem:s5], $0x40, s21, s7, $0xb8;
	[tilespmem:$0x181A0] =	vst v63  }
0x8c: {  	s0 =	sadd.s32 s4, s20;
	s21 =	sadd.s32 $0x280, s14;
	_ =	swait.ge [sflag:s15], $0x2000  }
0x8d: {  	s20 =	sadd.s32 s4, s21;
	s21 =	sadd.s32 s4, s22;
	[sflag:s15] =	ssyncset.done $0x0  }
0x8e: {  	s22 =	simm.s32 @!p1 $0xD;
	s9 =	rddreg [dreg:$0x4];
	[sflag:s15] =	ssyncadd.s32 $0xFFFFE000  }
0x8f: {  	[hbm4b:s25+s6] =	stream.linear.scatter [tilespmem:s9], [sflag:$0xB], $0x2000, $0x38;
	[tilespmem:$0x181A0] =	vst v63  }
0x90: {  	s18 =	sadd.s32 $0x10A0, s12;
	s0 =	sshll.u32 s0, $0x3;
	_ =	swait.ge @!p1 [sflag:s22], $0x2000  }
0x91: {  	s24 =	sadd.s32 $0x400, s14;
	s30 =	sand.u32 $0x1FFFF800, s0;
	[sflag:s22] =	ssyncset.done @!p1 $0x0  }
0x92: {  	s9 =	simm.s32 $0x81A0;
	[sflag:s22] =	ssyncadd.s32 @!p1 $0xFFFFE000;
	s22 =	simm.s32 $0x2  }
0x93: {  	[tilespmem:s9], [sflag:$0x3] =	stream.indirect.gather [spmem:s5], $0x40, s18, s7, $0xb8;
	[tilespmem:$0x181A0] =	vst v63  }
0x94: {  	s0 =	sshll.u32 s20, $0x3;
	s20 =	sadd.s32 s4, s24;
	_ =	swait.ge [sflag:s22], $0x2000  }
0x95: {  	s15 =	sadd.s32 $0x1120, s12;
	s24 =	sshll.u32 s20, $0x3;
	[sflag:s22] =	ssyncset.done $0x0  }
0x96: {  	s25 =	sshll.u32 s21, $0x3;
	s21 =	sadd.s32 $0x380, s14;
	[sflag:s22] =	ssyncadd.s32 $0xFFFFE000  }
0x97: {  	[hbm4b:s2+s6] =	stream.linear.scatter [tilespmem:s10], [sflag:$0xC], $0x2000, $0x38;
	[tilespmem:$0x181A0] =	vst v63  }
0x98: {  	s20 =	smov.u32 s19;
	s18 =	sadd.s32 s4, s21;
	_ =	swait.ge @!p1 [sflag:s16], $0x2000  }
0x99: {  	s19 =	simm.s32 $0xA1A0;
	s21 =	sshll.u32 s18, $0x3;
	[sflag:s16] =	ssyncset.done @!p1 $0x0  }
0x9a: {  	s18 =	smov.u32 s23;
	s23 =	simm.s32 $0x3;
	[sflag:s16] =	ssyncadd.s32 @!p1 $0xFFFFE000  }
0x9b: {  	[tilespmem:s19], [sflag:$0x4] =	stream.indirect.gather [spmem:s5], $0x40, s15, s7, $0xb8;
	[tilespmem:$0x181A0] =	vst v63  }
0x9c: {  	_ =	swait.ge [sflag:s23], $0x2000  }
0x9d: {  	[sflag:s23] =	ssyncset.done $0x0  }
0x9e: {  	s2 =	sadd.s32 s11, s31;
	s10 =	simm.s32 @!p1 $0xF;
	[sflag:s23] =	ssyncadd.s32 $0xFFFFE000  }
0x9f: {  	[hbm4b:s2+s6] =	stream.linear.scatter [tilespmem:s9], [sflag:$0xD], $0x2000, $0x38;
	[tilespmem:$0x181A0] =	vst v63  }
0xa0: {  	s1 =	sand.u32 $0x1FFFFC00, s1;
	s31 =	smov.u32 s13;
	_ =	swait.ge @!p1 [sflag:s10], $0x2000  }
0xa1: {  	s15 =	sadd.s32 $0x11A0, s12;
	s23 =	smov.u32 s1;
	s13 =	rddreg [dreg:$0xa]  }
0xa2: {  	s9 =	simm.s32 $0xC1A0;
	[sflag:s10] =	ssyncset.done @!p1 $0x0;
	[dreg:$0xa] =	wrdreg s23  }
0xa3: {  	s2 =	sadd.s32 s11, s13;
	[sflag:s10] =	ssyncadd.s32 @!p1 $0xFFFFE000;
	s13 =	simm.s32 $0x4  }
0xa4: {  	[tilespmem:s9], [sflag:$0x5] =	stream.indirect.gather [spmem:s5], $0x40, s15, s7, $0xb8;
	[tilespmem:$0x181A0] =	vst v63  }
0xa5: {  	_ =	swait.ge [sflag:s13], $0x2000  }
0xa6: {  	[sflag:s13] =	ssyncset.done $0x0  }
0xa7: {  	s16 =	smov.u32 s3;
	s3 =	simm.s32 @!p1 $0x10;
	[sflag:s13] =	ssyncadd.s32 $0xFFFFE000  }
0xa8: {  	[hbm4b:s2+s6] =	stream.linear.scatter [tilespmem:s19], [sflag:$0xE], $0x2000, $0x38;
	[tilespmem:$0x181A0] =	vst v63  }
0xa9: {  	_ =	swait.ge @!p1 [sflag:s3], $0x2000  }
0xaa: {  	s23 =	smov.u32 s30;
	s15 =	sadd.s32 $0x1220, s12;
	[sflag:s3] =	ssyncset.done @!p1 $0x0  }
0xab: {  	s13 =	simm.s32 $0xE1A0;
	s19 =	rddreg [dreg:$0x8];
	[sflag:s3] =	ssyncadd.s32 @!p1 $0xFFFFE000  }
0xac: {  	[tilespmem:s13], [sflag:$0x6] =	stream.indirect.gather [spmem:s5], $0x40, s15, s7, $0xb8;
	[tilespmem:$0x181A0] =	vst v63  }
0xad: {  	[dreg:$0x8] =	wrdreg s23;
	s15 =	simm.s32 $0x5  }
0xae: {  	s8 =	sadd.s32 $0x1400, s8;
	s23 =	smov.u32 s0;
	_ =	swait.ge [sflag:s15], $0x2000  }
0xaf: {  	s2 =	sadd.s32 s11, s19;
	[sflag:s15] =	ssyncset.done $0x0;
	s19 =	rddreg [dreg:$0x9]  }
0xb0: {  	s10 =	simm.s32 @!p1 $0x11;
	[dreg:$0x9] =	wrdreg s23;
	[sflag:s15] =	ssyncadd.s32 $0xFFFFE000  }
0xb1: {  	[hbm4b:s2+s6] =	stream.linear.scatter [tilespmem:s9], [sflag:$0xF], $0x2000, $0x38;
	[tilespmem:$0x181A0] =	vst v63  }
0xb2: {  	s26 =	sadd.s32 $0x2800, s26;
	p3 =	sne.s32 s8, $0xC800;
	_ =	swait.ge @!p1 [sflag:s10], $0x2000  }
0xb3: {  	s1 =	sadd.s32 $0x12A0, s12;
	s3 =	sand.u32 $0x1FFFFC00, s19;
	[sflag:s10] =	ssyncset.done @!p1 $0x0  }
0xb4: {  	s19 =	simm.s32 $0x6;
	s9 =	simm.s32 $0x101A0;
	[sflag:s10] =	ssyncadd.s32 @!p1 $0xFFFFE000  }
0xb5: {  	[tilespmem:s9], [sflag:$0x7] =	stream.indirect.gather [spmem:s5], $0x40, s1, s7, $0xb8;
	[tilespmem:$0x181A0] =	vst v63  }
0xb6: {  	p2 =	por p4, p4;
	s15 =	smov.u32 s25;
	_ =	swait.ge [sflag:s19], $0x2000  }
0xb7: {  	s0 =	sadd.s32 s11, s3;
	[sflag:s19] =	ssyncset.done $0x0;
	s10 =	rddreg [dreg:$0x6]  }
0xb8: {  	s2 =	simm.s32 @!p1 $0x12;
	[dreg:$0x6] =	wrdreg s15;
	[sflag:s19] =	ssyncadd.s32 $0xFFFFE000  }
0xb9: {  	[hbm4b:s0+s6] =	stream.linear.scatter [tilespmem:s13], [sflag:$0x10], $0x2000, $0x38;
	[tilespmem:$0x181A0] =	vst v63  }
0xba: {  	s22 =	sand.u32 $0x1FFFF800, s24;
	s24 =	smov.u32 s28;
	_ =	swait.ge @!p1 [sflag:s2], $0x2000  }
0xbb: {  	s28 =	simm.s32 $0x161A0;
	s23 =	sadd.s32 $0x1320, s12;
	[sflag:s2] =	ssyncset.done @!p1 $0x0  }
0xbc: {  	s3 =	sand.u32 $0x1FFFF800, s10;
	s10 =	simm.s32 $0x121A0;
	[sflag:s2] =	ssyncadd.s32 @!p1 $0xFFFFE000  }
0xbd: {  	[tilespmem:s10], [sflag:$0x8] =	stream.indirect.gather [spmem:s5], $0x40, s23, s7, $0xb8;
	[tilespmem:$0x181A0] =	vst v63  }
0xbe: {  	s30 =	simm.s32 $0x9;
	s25 =	sadd.s32 $0x13A0, s12;
	s23 =	simm.s32 $0x7  }
0xbf: {  	s12 =	smov.u32 s14;
	s15 =	smov.u32 s21;
	_ =	swait.ge [sflag:s23], $0x2000  }
0xc0: {  	s19 =	sadd.s32 s11, s3;
	[sflag:s23] =	ssyncset.done $0x0;
	s14 =	rddreg [dreg:$0x7]  }
0xc1: {  	s3 =	simm.s32 @!p1 $0x13;
	[dreg:$0x7] =	wrdreg s15;
	[sflag:s23] =	ssyncadd.s32 $0xFFFFE000  }
0xc2: {  	[hbm4b:s19+s6] =	stream.linear.scatter [tilespmem:s9], [sflag:$0x11], $0x2000, $0x38;
	[tilespmem:$0x181A0] =	vst v63  }
0xc3: {  	s1 =	simm.s32 @p2 $0x41A0;
	s21 =	simm.s32 $0x141A0;
	_ =	swait.ge @!p1 [sflag:s3], $0x2000  }
0xc4: {  	s13 =	simm.s32 @!p1 $0x14;
	s0 =	simm.s32 @p2 $0xA;
	[sflag:s3] =	ssyncset.done @!p1 $0x0  }
0xc5: {  	s2 =	sand.u32 $0x1FFFFC00, s14;
	s23 =	simm.s32 $0x8;
	[sflag:s3] =	ssyncadd.s32 @!p1 $0xFFFFE000  }
0xc6: {  	[tilespmem:s21], [sflag:$0x9] =	stream.indirect.gather [spmem:s5], $0x40, s25, s7, $0xb8;
	[tilespmem:$0x181A0] =	vst v63  }
.Ltmp0:
0xc7: {  	s19 =	sadd.s32 s11, s2;
	_ =	swait.ge [sflag:s23], $0x2000;
	(pc) =	sbr.rel @p3 .LBB2_2-.Ltmp0, $4  }
0xc8: {  	s25 =	sshra.s32 s29, $0x2;
	s21 =	sadd.s32 $0x1020, s12;
	[sflag:s23] =	ssyncset.done $0x0  }
0xc9: {  	s14 =	sadd.s32 $0x1420, s25;
	s29 =	rddreg [dreg:$0xb];
	[sflag:s23] =	ssyncadd.s32 $0xFFFFE000  }
0xca: {  	[hbm4b:s19+s6] =	stream.linear.scatter [tilespmem:s10], [sflag:$0x12], $0x2000, $0x38;
	[tilespmem:$0x181A0] =	vst v63  }
0xcb: {  	s25 =	simm.s32 @!p2 $0x41A0;
	s3 =	sadd.s32 s11, s29;
	_ =	swait.ge @!p1 [sflag:s13], $0x2000  }
0xcc: {  	[sflag:s13] =	ssyncset.done @!p1 $0x0  }
0xcd: {  	[sflag:s13] =	ssyncadd.s32 @!p1 $0xFFFFE000  }
0xce: {  	s7 =	simm.s32 $0x80;
	s5 =	rddreg [dreg:$0x2]  }
0xcf: {  	[tilespmem:s28], [sflag:$0xA] =	stream.indirect.gather [spmem:s5], $0x40, s14, s7, $0xb8;
	[tilespmem:$0x181A0] =	vst v63  }
0xd0: {  	_ =	swait.ge [sflag:s30], $0x2000  }
0xd1: {  	s6 =	simm.s32 $0x0;
	[sflag:s30] =	ssyncset.done $0x0  }
0xd2: {  	s9 =	simm.s32 $0x141A0;
	s2 =	simm.s32 @p2 $0xB;
	[sflag:s30] =	ssyncadd.s32 $0xFFFFE000  }
0xd3: {  	[hbm4b:s3+s6] =	stream.linear.scatter [tilespmem:s9], [sflag:$0x13], $0x2000, $0x38;
	[tilespmem:$0x181A0] =	vst v63  }
0xd4: {  	_ =	swait.ge @p2 [sflag:s2], $0x2000  }
0xd5: {  	[sflag:s2] =	ssyncset.done @p2 $0x0  }
0xd6: {  	[sflag:s2] =	ssyncadd.s32 @p2 $0xFFFFE000;
	s2 =	simm.s32 @p2 $0x80  }
0xd7: {  	[tilespmem:s1], [sflag:$0x1] =	stream.indirect.gather @p2 [spmem:s5], $0x40, s20, s2, $0xb8;
	[tilespmem:$0x181A0] =	vst v63  }
0xd8: {  	_ =	swait.ge @p2 [sflag:s0], $0x2000  }
0xd9: {  	[sflag:s0] =	ssyncset.done @p2 $0x0  }
0xda: {  	s1 =	simm.s32 @p2 $0x0;
	[sflag:s0] =	ssyncadd.s32 @p2 $0xFFFFE000;
	s0 =	simm.s32 @p2 $0x161A0  }
0xdb: {  	[hbm4b:s18+s1] =	stream.linear.scatter @p2 [tilespmem:s0], [sflag:$0x14], $0x2000, $0x38;
	[tilespmem:$0x181A0] =	vst v63  }
0xdc: {  	s0 =	simm.s32 @p2 $0xC  }
0xdd: {  	_ =	swait.ge @p2 [sflag:s0], $0x2000  }
0xde: {  	[sflag:s0] =	ssyncset.done @p2 $0x0  }
0xdf: {  	s1 =	simm.s32 @!p2 $0x80;
	[sflag:s0] =	ssyncadd.s32 @p2 $0xFFFFE000;
	s0 =	simm.s32 @!p2 $0xFA0  }
0xe0: {  	[tilespmem:s25], [sflag:$0x1] =	stream.indirect.gather @!p2 [spmem:s5], $0x40, s0, s1, $0xb8;
	[tilespmem:$0x181A0] =	vst v63  }
0xe1: {  	s8 =	simm.s32 $0x1;
	s14 =	simm.s32 $0x61A0  }
0xe2: {  	[tilespmem:s14], [sflag:$0x2] =	stream.indirect.gather [spmem:s5], $0x40, s21, s7, $0xb8;
	[tilespmem:$0x181A0] =	vst v63  }
0xe3: {  	_ =	swait.ge [sflag:s8], $0x2000  }
0xe4: {  	s15 =	rddreg [dreg:$0x4]  }
0xe5: {  	[sflag:s8] =	ssyncset.done $0x0;
	s10 =	rddreg [dreg:$0x5]  }
0xe6: {  	s17 =	sand.u32 $0x1FFFF800, s24;
	s2 =	rddreg [dreg:$0x1];
	p1 =	seq.s32 s10, $0x0  }
0xe7: {  	[sflag:s8] =	ssyncadd.s32 $0xFFFFE000;
	s1 =	sadd.s32 s2, s17;
	s0 =	simm.s32 @!p1 $0xD  }
0xe8: {  	[hbm4b:s1+s6] =	stream.linear.scatter [tilespmem:s15], [sflag:$0xB], $0x2000, $0x38;
	[tilespmem:$0x181A0] =	vst v63  }
0xe9: {  	_ =	swait.ge @!p1 [sflag:s0], $0x2000  }
0xea: {  	s19 =	simm.s32 $0x81A0;
	[sflag:s0] =	ssyncset.done @!p1 $0x0  }
0xeb: {  	s20 =	simm.s32 $0x2;
	s18 =	sadd.s32 $0x10A0, s12;
	[sflag:s0] =	ssyncadd.s32 @!p1 $0xFFFFE000  }
0xec: {  	[tilespmem:s19], [sflag:$0x3] =	stream.indirect.gather [spmem:s5], $0x40, s18, s7, $0xb8;
	[tilespmem:$0x181A0] =	vst v63  }
0xed: {  	_ =	swait.ge [sflag:s20], $0x2000  }
0xee: {  	[sflag:s20] =	ssyncset.done $0x0  }
0xef: {  	s21 =	sadd.s32 s2, s16;
	s0 =	simm.s32 @!p1 $0xE;
	[sflag:s20] =	ssyncadd.s32 $0xFFFFE000  }
0xf0: {  	[hbm4b:s21+s6] =	stream.linear.scatter [tilespmem:s14], [sflag:$0xC], $0x2000, $0x38;
	[tilespmem:$0x181A0] =	vst v63  }
0xf1: {  	_ =	swait.ge @!p1 [sflag:s0], $0x2000  }
0xf2: {  	s23 =	sadd.s32 $0x1120, s12;
	[sflag:s0] =	ssyncset.done @!p1 $0x0  }
0xf3: {  	s24 =	simm.s32 $0xA1A0;
	s25 =	simm.s32 $0x3;
	[sflag:s0] =	ssyncadd.s32 @!p1 $0xFFFFE000  }
0xf4: {  	[tilespmem:s24], [sflag:$0x4] =	stream.indirect.gather [spmem:s5], $0x40, s23, s7, $0xb8;
	[tilespmem:$0x181A0] =	vst v63  }
0xf5: {  	_ =	swait.ge [sflag:s25], $0x2000  }
0xf6: {  	[sflag:s25] =	ssyncset.done $0x0  }
0xf7: {  	s26 =	sadd.s32 s2, s31;
	s0 =	simm.s32 @!p1 $0xF;
	[sflag:s25] =	ssyncadd.s32 $0xFFFFE000  }
0xf8: {  	[hbm4b:s26+s6] =	stream.linear.scatter [tilespmem:s19], [sflag:$0xD], $0x2000, $0x38;
	[tilespmem:$0x181A0] =	vst v63  }
0xf9: {  	_ =	swait.ge @!p1 [sflag:s0], $0x2000  }
0xfa: {  	s29 =	sadd.s32 $0x11A0, s12;
	[sflag:s0] =	ssyncset.done @!p1 $0x0  }
0xfb: {  	s11 =	simm.s32 $0x4;
	s31 =	simm.s32 $0xC1A0;
	[sflag:s0] =	ssyncadd.s32 @!p1 $0xFFFFE000  }
0xfc: {  	[tilespmem:s31], [sflag:$0x5] =	stream.indirect.gather [spmem:s5], $0x40, s29, s7, $0xb8;
	[tilespmem:$0x181A0] =	vst v63  }
0xfd: {  	_ =	swait.ge [sflag:s11], $0x2000  }
0xfe: {  	[sflag:s11] =	ssyncset.done $0x0;
	s13 =	rddreg [dreg:$0xa]  }
0xff: {  	s0 =	sadd.s32 s2, s13;
	[sflag:s11] =	ssyncadd.s32 $0xFFFFE000  }
0x100: {  	[hbm4b:s0+s6] =	stream.linear.scatter [tilespmem:s24], [sflag:$0xE], $0x2000, $0x38;
	[tilespmem:$0x181A0] =	vst v63  }
0x101: {  	s0 =	simm.s32 @!p1 $0x10  }
0x102: {  	_ =	swait.ge @!p1 [sflag:s0], $0x2000  }
0x103: {  	s16 =	simm.s32 $0x5;
	[sflag:s0] =	ssyncset.done @!p1 $0x0  }
0x104: {  	s15 =	simm.s32 $0xE1A0;
	s14 =	sadd.s32 $0x1220, s12;
	[sflag:s0] =	ssyncadd.s32 @!p1 $0xFFFFE000  }
0x105: {  	[tilespmem:s15], [sflag:$0x6] =	stream.indirect.gather [spmem:s5], $0x40, s14, s7, $0xb8;
	[tilespmem:$0x181A0] =	vst v63  }
0x106: {  	_ =	swait.ge [sflag:s16], $0x2000  }
0x107: {  	[sflag:s16] =	ssyncset.done $0x0;
	s17 =	rddreg [dreg:$0x8]  }
0x108: {  	s0 =	sadd.s32 s2, s17;
	[sflag:s16] =	ssyncadd.s32 $0xFFFFE000  }
0x109: {  	[hbm4b:s0+s6] =	stream.linear.scatter [tilespmem:s31], [sflag:$0xF], $0x2000, $0x38;
	[tilespmem:$0x181A0] =	vst v63  }
0x10a: {  	s0 =	simm.s32 @!p1 $0x11  }
0x10b: {  	_ =	swait.ge @!p1 [sflag:s0], $0x2000  }
0x10c: {  	s18 =	sadd.s32 $0x12A0, s12;
	[sflag:s0] =	ssyncset.done @!p1 $0x0  }
0x10d: {  	s20 =	simm.s32 $0x6;
	s19 =	simm.s32 $0x101A0;
	[sflag:s0] =	ssyncadd.s32 @!p1 $0xFFFFE000  }
0x10e: {  	[tilespmem:s19], [sflag:$0x7] =	stream.indirect.gather [spmem:s5], $0x40, s18, s7, $0xb8;
	[tilespmem:$0x181A0] =	vst v63  }
0x10f: {  	_ =	swait.ge [sflag:s20], $0x2000  }
0x110: {  	s21 =	rddreg [dreg:$0x9]  }
0x111: {  	[sflag:s20] =	ssyncset.done $0x0;
	s0 =	sand.u32 $0x1FFFFC00, s21  }
0x112: {  	[sflag:s20] =	ssyncadd.s32 $0xFFFFE000;
	s0 =	sadd.s32 s2, s0  }
0x113: {  	[hbm4b:s0+s6] =	stream.linear.scatter [tilespmem:s15], [sflag:$0x10], $0x2000, $0x38;
	[tilespmem:$0x181A0] =	vst v63  }
0x114: {  	s0 =	simm.s32 @!p1 $0x12  }
0x115: {  	_ =	swait.ge @!p1 [sflag:s0], $0x2000  }
0x116: {  	s23 =	sadd.s32 $0x1320, s12;
	[sflag:s0] =	ssyncset.done @!p1 $0x0  }
0x117: {  	s25 =	simm.s32 $0x7;
	s24 =	simm.s32 $0x121A0;
	[sflag:s0] =	ssyncadd.s32 @!p1 $0xFFFFE000  }
0x118: {  	[tilespmem:s24], [sflag:$0x8] =	stream.indirect.gather [spmem:s5], $0x40, s23, s7, $0xb8;
	[tilespmem:$0x181A0] =	vst v63  }
0x119: {  	_ =	swait.ge [sflag:s25], $0x2000  }
0x11a: {  	s26 =	rddreg [dreg:$0x6]  }
0x11b: {  	[sflag:s25] =	ssyncset.done $0x0;
	s0 =	sand.u32 $0x1FFFF800, s26  }
0x11c: {  	[sflag:s25] =	ssyncadd.s32 $0xFFFFE000;
	s0 =	sadd.s32 s2, s0  }
0x11d: {  	[hbm4b:s0+s6] =	stream.linear.scatter [tilespmem:s19], [sflag:$0x11], $0x2000, $0x38;
	[tilespmem:$0x181A0] =	vst v63  }
0x11e: {  	s0 =	simm.s32 @!p1 $0x13  }
0x11f: {  	_ =	swait.ge @!p1 [sflag:s0], $0x2000  }
0x120: {  	[sflag:s0] =	ssyncset.done @!p1 $0x0  }
0x121: {  	s29 =	sadd.s32 $0x13A0, s12;
	s31 =	simm.s32 $0x8;
	[sflag:s0] =	ssyncadd.s32 @!p1 $0xFFFFE000  }
0x122: {  	[tilespmem:s9], [sflag:$0x9] =	stream.indirect.gather [spmem:s5], $0x40, s29, s7, $0xb8;
	[tilespmem:$0x181A0] =	vst v63  }
0x123: {  	_ =	swait.ge [sflag:s31], $0x2000  }
0x124: {  	s8 =	rddreg [dreg:$0x7]  }
0x125: {  	[sflag:s31] =	ssyncset.done $0x0;
	s0 =	sand.u32 $0x1FFFFC00, s8  }
0x126: {  	[sflag:s31] =	ssyncadd.s32 $0xFFFFE000;
	s0 =	sadd.s32 s2, s0  }
0x127: {  	[hbm4b:s0+s6] =	stream.linear.scatter [tilespmem:s24], [sflag:$0x12], $0x2000, $0x38;
	[tilespmem:$0x181A0] =	vst v63  }
0x128: {  	s0 =	simm.s32 @!p1 $0x14  }
0x129: {  	_ =	swait.ge @!p1 [sflag:s0], $0x2000  }
0x12a: {  	s11 =	sshra.s32 s10, $0x2;
	[sflag:s0] =	ssyncset.done @!p1 $0x0  }
0x12b: {  	s12 =	sadd.s32 $0x1420, s11;
	[sflag:s0] =	ssyncadd.s32 @!p1 $0xFFFFE000  }
0x12c: {  	[tilespmem:s28], [sflag:$0xA] =	stream.indirect.gather [spmem:s5], $0x40, s12, s7, $0xb8;
	[tilespmem:$0x181A0] =	vst v63  }
0x12d: {  	_ =	swait.ge [sflag:s30], $0x2000  }
0x12e: {  	[sflag:s30] =	ssyncset.done $0x0  }
0x12f: {  	s13 =	sadd.s32 s2, s22;
	s14 =	simm.s32 $0xA;
	[sflag:s30] =	ssyncadd.s32 $0xFFFFE000  }
0x130: {  	[hbm4b:s13+s6] =	stream.linear.scatter [tilespmem:s9], [sflag:$0x13], $0x2000, $0x38;
	[tilespmem:$0x181A0] =	vst v63  }
0x131: {  	_ =	swait.ge [sflag:s14], $0x2000  }
0x132: {  	[sflag:s14] =	ssyncset.done $0x0  }
0x133: {  	s16 =	simm.s32 $0xB;
	s15 =	rddreg [dreg:$0xe];
	[sflag:s14] =	ssyncadd.s32 $0xFFFFE000  }
0x134: {  	[hbm4b:s15+s6] =	stream.linear.scatter [tilespmem:s28], [sflag:$0x14], $0x2000, $0x38;
	[tilespmem:$0x181A0] =	vst v63  }
0x135: {  	_ =	swait.ge [sflag:s16], $0x2000  }
0x136: {  	[sflag:s16] =	ssyncset.done $0x0  }
0x137: {  	s17 =	simm.s32 $0xC;
	[sflag:s16] =	ssyncadd.s32 $0xFFFFE000  }
0x138: {  	_ =	swait.ge [sflag:s17], $0x2000  }
0x139: {  	[sflag:s17] =	ssyncset.done $0x0  }
0x13a: {  	s18 =	simm.s32 $0xD;
	[sflag:s17] =	ssyncadd.s32 $0xFFFFE000  }
0x13b: {  	_ =	swait.ge [sflag:s18], $0x2000  }
0x13c: {  	[sflag:s18] =	ssyncset.done $0x0  }
0x13d: {  	s19 =	simm.s32 $0xE;
	[sflag:s18] =	ssyncadd.s32 $0xFFFFE000  }
0x13e: {  	_ =	swait.ge [sflag:s19], $0x2000  }
0x13f: {  	[sflag:s19] =	ssyncset.done $0x0  }
0x140: {  	s20 =	simm.s32 $0xF;
	[sflag:s19] =	ssyncadd.s32 $0xFFFFE000  }
0x141: {  	_ =	swait.ge [sflag:s20], $0x2000  }
0x142: {  	[sflag:s20] =	ssyncset.done $0x0  }
0x143: {  	s21 =	simm.s32 $0x10;
	[sflag:s20] =	ssyncadd.s32 $0xFFFFE000  }
0x144: {  	_ =	swait.ge [sflag:s21], $0x2000  }
0x145: {  	[sflag:s21] =	ssyncset.done $0x0  }
0x146: {  	s22 =	simm.s32 $0x11;
	[sflag:s21] =	ssyncadd.s32 $0xFFFFE000  }
0x147: {  	_ =	swait.ge [sflag:s22], $0x2000  }
0x148: {  	[sflag:s22] =	ssyncset.done $0x0  }
0x149: {  	s23 =	simm.s32 $0x12;
	[sflag:s22] =	ssyncadd.s32 $0xFFFFE000  }
0x14a: {  	_ =	swait.ge [sflag:s23], $0x2000  }
0x14b: {  	[sflag:s23] =	ssyncset.done $0x0  }
0x14c: {  	s24 =	simm.s32 $0x13;
	[sflag:s23] =	ssyncadd.s32 $0xFFFFE000  }
0x14d: {  	_ =	swait.ge [sflag:s24], $0x2000  }
0x14e: {  	[sflag:s24] =	ssyncset.done $0x0  }
0x14f: {  	s25 =	simm.s32 $0x14;
	[sflag:s24] =	ssyncadd.s32 $0xFFFFE000  }
0x150: {  	_ =	swait.ge [sflag:s25], $0x2000  }
0x151: {  	s29 =	rddreg [dreg:$0x12]  }
0x152: {  	s31 =	rddreg [dreg:$0xf];
	s2 =	sadd.s32 $0x1, s29  }
0x153: {  	p1 =	sne.s32 s2, s31  }
.Ltmp1:
0x154: {  	_ = 	snop;
	(pc) =	sbr.rel @p1 .LBB2_1-.Ltmp1, $3  }
0x155: {  	_ =	sdelay $0x1  }
0x156: {  	[sflag:s25] =	ssyncset.done $0x0  }
0x157: {  	s26 =	simm.s32 $0x141A0;
	[sflag:s25] =	ssyncadd.s32 $0xFFFFE000  }
0x158: {  	_ =	sfence.sel $0x180000  }
0x159: {  	[bflag:$0x0] =	sbarrier.arrive $0xFFFF  }
0x15a: {  	_ =	strace $0x90000047  }
0x15b: {  	[bflag:$0x2] =	sbarrier.arrive $0xFFFF  }
0x15c: {  	s0 =	rddreg [dreg:$0x3]  }
0x15d: {  	s0 =	sadd.s32 @!p0 $0x100000, s0  }
0x15e: {  	[sflag:s0] =	ssyncadd.tile.s32 @!p0 $0x1;
	_ =	shalt  }
.Lfunc_end2:
_tile_overlayer_lowered:
.L_overlay_start_2:
0x15f: {  	(tag) =	ssettag $0x2  }
0x160: {  	s0 =	rddreg [dreg:$0x0];
	s2 =	stileid.u32  }
0x161: {  	s1 =	rddreg [dreg:$0x1];
	p0 =	sne.s32 s2, $0x0  }
0x162: {  	s3 =	rddreg [dreg:$0x2];
	[bflag:$0x3] =	sbarrier.arrive $0xFFFF;
	s2 =	simm.s32 @!p0 $0x1C15  }
0x163: {  	[timem:s3], [sflag:s2] =	dma.local @!p0 [hbm:s0], s1  }
0x164: {  	s0 =	simm.s32 @!p0 $0x15  }
0x165: {  	_ =	swait.ge @!p0 [sflag:s0], s1  }
0x166: {  	s1 =	ssub.s32 @!p0 $0x0, s1;
	[sflag:s0] =	ssyncset.done @!p0 $0x0  }
0x167: {  	[sflag:s0] =	ssyncadd.s32 @!p0 s1  }
0x168: {  	[bflag:$0x3] =	sbarrier.arrive $0xFFFF  }
0x169: {  	_ =	shalt  }

// kernel: sparse-core-data-format-call.cloned.1.call-start
scs
called_computation_lowered:
.L_overlay_start_0:
0x0: {  	s2 =	sld [smem:$0x3FD9]  }
0x1: {  	s3 =	sld [smem:$0x3FFE];
	_ =	sdelay $0x1  }
0x2: {  	s1 =	srdreg.scid  }
0x3: {  	s0 =	sand.u32 $0x1, s1  }
0x4: {  	s18 =	sshll.u32 s0, $0xA;
	s2 =	sadd.s32 s3, s2  }
0x5: {  	s2 =	sadd.s32 s2, s18  }
0x6: {  	[smem:$0x3FC5] =	sst s2  }
0x7: {  	_ = 	snop  }
0x8: {  	s2 =	sld [smem:$0x3FD0];
	(tm) =	ssettm $0x1  }
0x9: {  	s19 =	sld [smem:$0x3FFB];
	_ =	sdelay $0x3  }
0xa: {  	_ =	strace s19  }
0xb: {  	s3 =	sld [smem:$0x3FFC];
	_ =	sdelay $0x3  }
0xc: {  	_ =	strace s3  }
0xd: {  	s3 =	sld [smem:$0x3FFD];
	_ =	sdelay $0x3  }
0xe: {  	_ =	strace s3  }
0xf: {  	_ =	strace $0x8FFFFFFF  }
0x10: {  	s20 =	sld [smem:$0x3FDB];
	_ =	sdelay $0x1  }
0x11: {  	s4 =	simm.s32 $_scs_section_size  }
0x12: {  	s5 =	simm.s32 $_size__tile_overlayer_lowered;
	s6 =	simm.s32 $_tile_overlayer_lowered  }
0x13: {  	s23 =	simm.s32 $0x1BFF;
	s22 =	sshll.u32 s6, $0x1;
	s3 =	sadd.s32 s4, s20  }
0x14: {  	s7 =	simm.s32 $0x0;
	s21 =	sshll.u32 s5, $0x1;
	s5 =	sadd.s32 s22, s3  }
0x15: {  	[timem:s7], [sflag:s23] =	dma.local [hbm:s5], s21  }
0x16: {  	_ =	swait.ge [sflag:s23], s21  }
0x17: {  	s4 =	ssub.s32 $0x0, s21;
	[sflag:s23] =	ssyncset.done $0x0  }
0x18: {  	[sflag:s23] =	ssyncadd.s32 s4;
	_ =	sdelay $0x1  }
0x19: {  	s24 =	simm.s32 $0x1B8B  }
0x1a: {  	_ =	swait.ge [sflag:s24], $0x1  }
0x1b: {  	[sflag:s24] =	ssyncset.done $0x0  }
0x1c: {  	s26 =	simm.s32 $0x1B8E;
	s25 =	sld [smem:$0x3FFE];
	[sflag:s24] =	ssyncadd.s32 $0xFFFFFFFF  }
0x1d: {  	s27 =	simm.s32 $execute0_lowered;
	[smem:$0x3FD2] =	sst s26  }
0x1e: {  	s5 =	sshll.u32 s27, $0x1;
	_ =	strace $0x80000049;
	[dreg:$0x1] =	wrdreg $0xFFFFFFFF  }
0x1f: {  	s28 =	simm.s32 $_size_execute0_lowered;
	s3 =	sadd.s32 s3, s5;
	[dreg:$0x0] =	wrdreg $0x0  }
0x20: {  	s5 =	sshll.u32 s28, $0x1;
	[dreg:$0x2] =	wrdreg s3  }
0x21: {  	[dreg:$0x3] =	wrdreg s5  }
0x22: {  	[dreg:$0x4] =	wrdreg $0xC0  }
0x23: {  	_ =	task [dreg:s7], $0x5FFFF  }
0x24: {  	[dreg:$0x1] =	wrdreg $0xFFFFFFFF  }
0x25: {  	[dreg:$0x0] =	wrdreg $0x60  }
0x26: {  	[dreg:$0x2] =	wrdreg s25  }
0x27: {  	[dreg:$0x3] =	wrdreg s2  }
0x28: {  	[dreg:$0x4] =	wrdreg $0x9  }
0x29: {  	_ =	task.clear_ibuf [dreg:s7], $0x5FFFF;
	_ =	strace $0x90000049  }
0x2a: {  	s29 =	simm.s32 $0x9;
	_ =	strace $0x8000004B  }
0x2b: {  	_ =	swait.ge [sflag:s29], $0x1  }
0x2c: {  	[sflag:s29] =	ssyncadd.s32 $0xFFFFFFFF  }
0x2d: {  	_ =	strace $0x9000004B  }
0x2e: {  	_ =	sfence  }
0x2f: {  	s30 =	sld [smem:$0x0];
	_ =	sdelay $0x2  }
0x30: {  	s31 =	sshll.u32 s1, $0xD;
	s1 =	sshrl.u32 s1, $0x2  }
0x31: {  	s3 =	sand.u32 $0x4000, s31;
	s1 =	sadd.s32 s1, s30  }
0x32: {  	s0 =	sor.u32 s3, s0;
	s1 =	sshll.u32 s1, $0x11  }
0x33: {  	s0 =	sor.u32 s1, s0  }
0x34: {  	s0 =	sadd.s32 $0x8F2B, s0  }
0x35: {  	[sflag:s0] =	ssyncadd.remote.s32 $0x1  }
0x36: {  	_ =	sfence.sel $0xFFFF  }
0x37: {  	[dreg:$0x0] =	wrdreg $0xFFFFFFFF;
	(pc) =	sbr.abs _section_cstart, $3  }
0x38: {  	[dreg:$0x1] =	wrdreg $0xFFFFFFFF  }
0x39: {  	_ =	task.clear_ibuf [dreg:s7], $0x2FFFF;
	_ =	strace $0x9FFFFFFF  }
0x3a: {  	(tm) =	ssettm $0x7FFFFFFF  }
0x3b: {  	_ =	shalt  }
tec
execute0_lowered:
.L_overlay_start_1:
0x0: {  	(tag) =	ssettag $0x1  }
0x1: {  	s0 =	srdreg.scid  }
0x2: {  	s1 =	sshll.u32 s0, $0x4  }
0x3: {  	s0 =	stileid.u32;
	s1 =	sand.u32 $0x10, s1  }
0x4: {  	s1 =	sor.u32 s0, s1  }
0x5: {  	s6 =	rddreg [dreg:$0x0];
	s4 =	simm.s32 $0x1;
	s2 =	sshll.u32 s1, $0x7  }
0x6: {  	s7 =	simm.s32 $0x2;
	s12 =	simm.s32 $0x0;
	s1 =	ssub.s32 $0x1000, s2  }
0x7: {  	s8 =	simm.s32 $0x8000;
	s13 =	simm.s32 $0x0;
	s3 =	sand.u32 $0xF80, s1  }
0x8: {  	s9 =	simm.s32 $0x0;
	s5 =	sshrl.u32 s1, $0xC;
	p0 =	sne.s32 s3, $0x0  }
.Ltmp0:
0x9: {  	s1 =	rddreg [dreg:$0x2];
	s4 =	simm.s32 @!p0 $0x0;
	(pc) =	sbr.rel .LBB1_1-.Ltmp0, $4  }
0xa: {  	s11 =	simm.s32 $0x0;
	s3 =	rddreg [dreg:$0x1];
	s5 =	sadd.s32 s4, s5  }
0xb: {  	_ =	strace $0x8000004A;
	s4 =	simm.s32 $0x1;
	s5 =	smul.u32 $0x64, s5  }
0xc: {  	s6 =	sadd.s32 $0xA00, s6;
	s10 =	smov.u32 s2;
	[sflag:s4] =	ssyncpa.u1 $0x0  }
0xd: {  	p0 =	por $0x0, $0x0;
	[sflag:s7] =	ssyncpa.u1 $0x0;
	s7 =	sor.u32 $0x1, s5  }
.LBB1_4:
0xe: {  	s16 =	sshll.u32 s13, $0x3;
	s17 =	sand.u32 $0x78, s13  }
0xf: {  	s30 =	sand.u32 $0x7E00, s13;
	s12 =	sshll.u32 s12, $0xF;
	s16 =	sand.u32 $0xC00, s16  }
0x10: {  	[tilespmem:s15+$0x810 ss:$0x81] =	vst.msk $0xffff, v2;
	s31 =	sand.u32 $0x7, s13;
	s16 =	sor.u32 s17, s16;
	s17 =	sadd.s32 s3, s30  }
0x11: {  	[tilespmem:s15+$0x1020 ss:$0x81] =	vst.msk $0xffff, v0;
	s13 =	sshll.u32 s31, $0x12;
	s12 =	sadd.s32 s12, s17;
	s16 =	sshrl.u32 s16, $0x3  }
0x12: {  	[tilespmem:s15+$0x0 ss:$0x81] =	vst.msk $0xffff, v1;
	s13 =	sor.u32 $0x400, s13;
	s12 =	sadd.s32 s16, s12  }
0x13: {  	[hbm4b:s12+s13] =	stream.strided.scatter [tilespmem:s14], [sflag:$0x2], $0x2000, s8, s13, $0x20;
	[tilespmem:$0x8080] =	vst v63  }
.LBB1_5:
0x14: {  	s14 =	sadd.s32 $0x1, s9  }
0x15: {  	s12 =	sadd.s32 $0x1000, s10;
	s16 =	smov.u32 s10;
	p2 =	sgt.s32 s14, $0x63  }
0x16: {  	s16 =	smov.u32 @p2 s12  }
0x17: {  	s14 =	simm.s32 @p2 $0x0;
	p2 =	sgt.s32 s16, $0xFFF  }
0x18: {  	s16 =	smov.u32 @p2 s2;
	p2 =	sne.s32 s11, s7  }
.Ltmp1:
0x19: {  	p1 =	slt.u32 s11, $0x2;
	(pc) =	sbr.rel @!p2 .LBB1_6-.Ltmp1, $4  }
0x1a: {  	s15 =	simm.s32 @!p1 $0x2  }
0x1b: {  	s13 =	smov.u32 s10;
	p0 =	por !p0, !p0;
	_ =	swait.ge @!p1 [sflag:s15], $0x2000  }
0x1c: {  	s12 =	smov.u32 s9;
	[sflag:s15] =	ssyncset.done @!p1 $0x0;
	s9 =	smov.u32 s14  }
0x1d: {  	s11 =	sadd.s32 $0x1, s11;
	[sflag:s15] =	ssyncadd.s32 @!p1 $0xFFFFE000;
	s10 =	smov.u32 s16  }
.LBB1_1:
0x1e: {  	p1 =	sge.u32 s11, s5  }
0x1f: {  	s14 =	sand.u32 @!p1 $0x1FFFFFF, s9  }
0x20: {  	s15 =	smulhi.u32 @!p1 $0x2762763, s14;
	_ =	sdelay $0x1  }
0x21: {  	s15 =	smul.u32 @!p1 $0x68, s15  }
0x22: {  	s16 =	sxor.u32 @!p1 $0xFFFFFFFF, s11;
	s17 =	smul.u32 @!p1 $0x680, s10  }
0x23: {  	s31 =	sadd.s32 $0xFFFFFFFF, s11;
	s16 =	sshll.u32 @!p1 s16, $0xD;
	s14 =	ssub.s32 @!p1 s14, s15  }
0x24: {  	s15 =	sand.u32 @!p1 $0x2000, s16;
	s16 =	sadd.s32 @!p1 s6, s17;
	s14 =	sshll.u32 @!p1 s14, $0x4  }
0x25: {  	s17 =	simm.s32 @!p1 $0x3400;
	s14 =	sadd.s32 @!p1 s14, s16;
	s16 =	simm.s32 @!p1 $0x40  }
0x26: {  	[tilespmem:s15], [sflag:$0x1] =	stream.strided.gather @!p1 [hbm4b:s14+s16], $0x2000, s17, s16, $0x38;
	[tilespmem:$0x8080] =	vst v63  }
0x27: {  	p1 =	sge.u32 s31, s5  }
.Ltmp2:
0x28: {  	_ = 	snop;
	(pc) =	sbr.rel @p1 .LBB1_5-.Ltmp2, $1  }
0x29: {  	_ =	sdelay $0x3  }
0x2a: {  	s14 =	simm.s32 $0x1  }
0x2b: {  	_ =	swait.ge [sflag:s4], $0x2000;
	s14 =	simm.s32 @!p0 $0x0  }
0x2c: {  	[sflag:s4] =	ssyncset.done $0x0;
	s15 =	sshll.u32 s14, $0xD  }
0x2d: {  	[sflag:s4] =	ssyncadd.s32 $0xFFFFE000;
	s18 =	sor.u32 $0x20, s15  }
0x2e: {  	s14 =	smul.u32 $0x8100, s14;
	v3 =	vld [tilespmem:s18+$0x10]  }
0x2f: {  	s30 =	sand.u32 $0x1, s11;
	v2 =	vld [tilespmem:s18+$0xFFFFFFF0]  }
0x30: {  	s15 =	smul.u32 $0x8100, s30;
	s14 =	sshrl.u32 s14, $0x2;
	v0 =	vld [tilespmem:s18+$0x0]  }
0x31: {  	v1 =	vld [tilespmem:s18+$0xFFFFFFE0];
	s16 =	sor.u32 $0x4000, s14  }
0x32: {  	s31 =	sshrl.u32 s15, $0x2;
	s15 =	sadd.s32 $0x0, s16  }
0x33: {  	s17 =	simm.s32 $0x4;
	s18 =	sadd.s32 $0x40, s18;
	s14 =	sor.u32 $0x4000, s31;
	[tilespmem:s15+$0x1830 ss:$0x81] =	vst.msk $0xffff, v3  }
.LBB1_3:
0x34: {  	v3 =	vld [tilespmem:s18+$0x10];
	p1 =	sne.s32 s17, $0x1FC;
	[tilespmem:s15+$0x810 ss:$0x81] =	vst.msk $0xffff, v2;
	s19 =	smov.u32 s17;
	s17 =	sadd.s32 $0x4, s17  }
.Ltmp3:
0x35: {  	v2 =	vld [tilespmem:s18+$0xFFFFFFF0];
	[tilespmem:s15+$0x1020 ss:$0x81] =	vst.msk $0xffff, v0;
	(pc) =	sbr.rel @p1 .LBB1_3-.Ltmp3, $4  }
0x36: {  	v0 =	vld [tilespmem:s18+$0x0];
	[tilespmem:s15+$0x0 ss:$0x81] =	vst.msk $0xffff, v1  }
0x37: {  	s15 =	sshra.s32 s19, $0x2;
	v1 =	vld [tilespmem:s18+$0xFFFFFFE0]  }
0x38: {  	s15 =	sadd.s32 s15, s16  }
0x39: {  	s18 =	sadd.s32 $0x40, s18;
	[tilespmem:s15+$0x1830 ss:$0x81] =	vst.msk $0xffff, v3  }
.Ltmp4:
0x3a: {  	_ = 	snop;
	(pc) =	sbr.rel .LBB1_4-.Ltmp4, $1  }
0x3b: {  	_ =	sdelay $0x3  }
.LBB1_6:
0x3c: {  	_ =	sfence.sel $0x180000  }
0x3d: {  	s2 =	simm.s32 $0x1;
	[bflag:$0x0] =	sbarrier.arrive $0xFFFF  }
0x3e: {  	s31 =	simm.s32 $0x2;
	[sflag:s2] =	ssyncpa.u1 $0x1  }
0x3f: {  	[sflag:s31] =	ssyncpa.u1 $0x1  }
0x40: {  	p0 =	sne.s32 s0, $0x0;
	_ =	strace $0x9000004A  }
0x41: {  	s0 =	sadd.s32 @!p0 $0x100000, s1;
	[bflag:$0x2] =	sbarrier.arrive $0xFFFF  }
0x42: {  	[sflag:s0] =	ssyncadd.tile.s32 @!p0 $0x1;
	_ =	shalt  }
.Lfunc_end1:
_tile_overlayer_lowered:
.L_overlay_start_2:
0x43: {  	(tag) =	ssettag $0x2  }
0x44: {  	s0 =	rddreg [dreg:$0x0];
	s2 =	stileid.u32  }
0x45: {  	s1 =	rddreg [dreg:$0x1];
	p0 =	sne.s32 s2, $0x0  }
0x46: {  	s3 =	rddreg [dreg:$0x2];
	[bflag:$0x3] =	sbarrier.arrive $0xFFFF;
	s2 =	simm.s32 @!p0 $0x1C01  }
0x47: {  	[timem:s3], [sflag:s2] =	dma.local @!p0 [hbm:s0], s1  }
0x48: {  	s0 =	simm.s32 @!p0 $0x1  }
0x49: {  	_ =	swait.ge @!p0 [sflag:s0], s1  }
0x4a: {  	s1 =	ssub.s32 @!p0 $0x0, s1;
	[sflag:s0] =	ssyncset.done @!p0 $0x0  }
0x4b: {  	[sflag:s0] =	ssyncadd.s32 @!p0 s1  }
0x4c: {  	[bflag:$0x3] =	sbarrier.arrive $0xFFFF  }
0x4d: {  	_ =	shalt  }

</sc_bundles>
